<compile_context>
chip_gen: v7x
topology: tpu7x:2x2x1
jax: 0.10.2.dev20260603
libtpu: 0.0.44.dev20260713+nightly
codegen_flags: <defaults>
</compile_context>

<pallas_src>
import functools

import jax
import jax.numpy as jnp
from jax import lax
from jax.experimental import pallas as pl
from jax.experimental.pallas import tpu as pltpu
from jax.experimental.pallas import tpu_sc as plsc

N = 16384
K_NN = 12
RADIUS2 = 1.0
C = 100
CPAD = 128
NCHUNK = CPAD // 16

ROWS = 256
GRID = N // ROWS

NW = 32
PPW = N // NW
BATCH = 32
NB = PPW // BATCH
IDXB = BATCH * K_NN


DPAD = 128


def _knn_body(q_ref, pcT_ref, sel_ref, d2_ref):
    q = q_ref[...]
    pcT = pcT_ref[...]
    qn = jnp.sum(q * q, axis=1, keepdims=True)
    kn = jnp.sum(pcT * pcT, axis=0, keepdims=True)
    dot = lax.dot_general(q, pcT, (((1,), (0,)), ((), ())),
                          preferred_element_type=jnp.float32,
                          precision=lax.Precision.DEFAULT)
    d2_ref[...] = qn - 2.0 * dot + kn

    iota = lax.broadcasted_iota(jnp.int32, (ROWS, N), 1)
    kiota = lax.broadcasted_iota(jnp.int32, (ROWS, K_NN), 1)
    big_i = jnp.int32(N)
    inf = jnp.float32(jnp.inf)

    def select_body(k, carry):
        vals, idx = carry
        d2 = d2_ref[...]
        m = jnp.min(d2, axis=1, keepdims=True)
        at_min = d2 == m
        sel_idx = jnp.min(jnp.where(at_min, iota, big_i),
                          axis=1, keepdims=True)
        d2_ref[...] = jnp.where(iota == sel_idx, inf, d2)
        vals = jnp.where(kiota == k, m, vals)
        idx = jnp.where(kiota == k, sel_idx, idx)
        return vals, idx

    vals0 = jnp.zeros((ROWS, K_NN), jnp.float32)
    idx0 = jnp.zeros((ROWS, K_NN), jnp.int32)
    vals, idx = lax.fori_loop(0, K_NN, select_body, (vals0, idx0))
    sel_ref[...] = jnp.where(vals > RADIUS2, idx[:, 0:1], idx)


def _knn_indices(pc2, pcT):
    return pl.pallas_call(
        _knn_body,
        grid=(GRID,),
        in_specs=[
            pl.BlockSpec((ROWS, DPAD), lambda i: (i, 0)),
            pl.BlockSpec((DPAD, N), lambda i: (0, 0)),
        ],
        out_specs=pl.BlockSpec((ROWS, K_NN), lambda i: (i, 0)),
        out_shape=jax.ShapeDtypeStruct((N, K_NN), jnp.int32),
        scratch_shapes=[pltpu.VMEM((ROWS, N), jnp.float32)],
    )(pc2, pcT)


def _lane_shuffle(x, perm2d):
    dnums = lax.GatherDimensionNumbers(
        offset_dims=(), collapsed_slice_dims=(0,), start_index_map=(0,))
    return lax.gather(x, perm2d, dnums, slice_sizes=(1,),
                      mode=lax.GatherScatterMode.PROMISE_IN_BOUNDS)


def _sc_loss_body(mask_hbm, selflat_hbm, out_hbm, idx_v, nb_v, self_v,
                  out_v, sem):
    wid = lax.axis_index("s") * 2 + lax.axis_index("c")

    def batch_body(b, carry):
        rbase = wid * PPW + b * BATCH
        goff = rbase * K_NN
        pltpu.sync_copy(selflat_hbm.at[pl.ds(goff, IDXB)], idx_v)
        copies = []
        for j in range(IDXB // 128):
            copies.append(
                pltpu.async_copy(
                    mask_hbm.at[idx_v.at[pl.ds(j * 128, 128)]],
                    nb_v.at[pl.ds(j * 128, 128)], sem))
        pltpu.sync_copy(mask_hbm.at[pl.ds(rbase, BATCH)], self_v)
        for cp in copies:
            cp.wait()

        lane = lax.iota(jnp.int32, 16)
        perms = [(lane ^ sh)[:, None] for sh in (8, 4, 2, 1)]

        def point_body(p, carry2):
            a = [self_v[p, pl.ds(c * 16, 16)] for c in range(NCHUNK)]
            row = jnp.zeros((16,), jnp.float32)
            for k in range(K_NN):
                r = p * K_NN + k
                acc = jnp.abs(a[0] - nb_v[r, pl.ds(0, 16)])
                for c in range(1, NCHUNK):
                    acc = acc + jnp.abs(a[c] - nb_v[r, pl.ds(c * 16, 16)])
                for perm in perms:
                    acc = acc + _lane_shuffle(acc, perm)
                row = jnp.where(lane == k, acc, row)
            out_v[p, :] = row
            return carry2

        lax.fori_loop(0, BATCH, point_body, 0)
        pltpu.sync_copy(out_v, out_hbm.at[pl.ds(rbase, BATCH)])
        return carry

    lax.fori_loop(0, NB, batch_body, 0)


@functools.cache
def _sc_loss_kernel():
    return pl.kernel(
        _sc_loss_body,
        mesh=plsc.VectorSubcoreMesh(core_axis_name="c", subcore_axis_name="s"),
        out_type=jax.ShapeDtypeStruct((N, 16), jnp.float32),
        scratch_types=[
            pltpu.VMEM((IDXB,), jnp.int32),
            pltpu.VMEM((IDXB, CPAD), jnp.float32),
            pltpu.VMEM((BATCH, CPAD), jnp.float32),
            pltpu.VMEM((BATCH, 16), jnp.float32),
            pltpu.SemaphoreType.DMA,
        ],
    )


def kernel(pc, mask):
    pc2 = jnp.pad(pc[0], ((0, 0), (0, DPAD - 3)))
    pcT = jnp.transpose(pc2)
    sel = _knn_indices(pc2, pcT)
    maskp = jnp.pad(mask[0], ((0, 0), (0, CPAD - C)))
    out16 = _sc_loss_kernel()(maskp, sel.reshape(-1))
    per_point = out16[:, :K_NN][None]
    smooth_loss = jnp.mean(per_point)
    return (smooth_loss, per_point)

# --- scband reference (transcript-rebuilt; emitter-appended) ---
"""Pipeline reference for scband-instance-smoothness-loss-463856468035 (READ-ONLY COPY).

The authoritative reference and input builder live on the scoring server;
editing this copy changes nothing except your own understanding.
"""

import jax, jax.numpy as jnp
import numpy as np

K = 12
MAX_RADIUS = 1.0
LOSS_NORM = 1


def setup_inputs(seed: int = 0) -> dict:
    key = jax.random.key(seed)
    k1, k2 = jax.random.split(key)
    pc = jax.random.normal(k1, (1, 16384, 3), dtype=jnp.float32)
    mask = jax.random.uniform(k2, (1, 16384, 100), dtype=jnp.float32)
    return {"pc": pc, "mask": mask}


def _knn_points(p1, p2, K):
    # p1: [B, N, 3], p2: [B, M, 3]. Returns squared dists and indices of K nearest.
    # pytorch3d knn_points returns squared euclidean distances.
    d2 = jnp.sum(p1 ** 2, axis=-1, keepdims=True) - 2.0 * jnp.einsum('bnd,bmd->bnm', p1, p2) + jnp.sum(p2 ** 2, axis=-1)[:, None, :]
    neg_d, idx = jax.lax.top_k(-d2, K)
    return -neg_d, idx


def reference(pc, mask):
    dist, nn_ind = _knn_points(pc, pc, K)
    tmp_idx = jnp.repeat(nn_ind[:, :, 0:1], K, axis=2)
    cond = dist > MAX_RADIUS
    nn_ind = jnp.where(cond, tmp_idx, nn_ind)

    out = mask[0][nn_ind[0]]            # [N, K, C]
    out = jnp.transpose(out, (0, 2, 1))  # [N, C, K]
    out = out[None]                      # [1, N, C, K]
    diff = mask[..., None] - out         # [1, N, C, K]
    per_point_smooth_loss = jnp.sum(jnp.abs(diff), axis=2)  # p=1 norm over C
    smooth_loss = jnp.mean(per_point_smooth_loss)
    return (smooth_loss, per_point_smooth_loss)

if __name__ == "__main__":
    import jax
    _d = setup_inputs()
    print(jax.jit(kernel)(*tuple(_d.values())))

</pallas_src>

<mosaic_0001>
#map = affine_map<(d0, d1) -> (0, 0)>
#map1 = affine_map<(d0, d1) -> (0)>
module attributes {stable_mosaic.version = 14 : i64} {
  func.func @_sc_loss_body(%arg0: i32, %arg1: i32, %arg2: memref<16384x128xf32, #tpu.memory_space<hbm>>, %arg3: memref<196608xi32, #tpu.memory_space<hbm>>, %arg4: memref<16384x16xf32, #tpu.memory_space<hbm>>, %arg5: memref<384xi32, #tpu.memory_space<vmem>>, %arg6: memref<384x128xf32, #tpu.memory_space<vmem>>, %arg7: memref<32x128xf32, #tpu.memory_space<vmem>>, %arg8: memref<32x16xf32, #tpu.memory_space<vmem>>, %arg9: memref<!tpu.dma_semaphore, #tpu.memory_space<semaphore_mem>>) attributes {dimension_semantics = [#tpu.dimension_semantics<core_parallel>, #tpu.dimension_semantics<subcore_parallel>], iteration_bounds = array<i64: 2, 16>, scalar_prefetch = 0 : i64, scratch_operands = 5 : i64, tpu.core_type = #tpu.core_type<sc_vector_subcore>, window_params = [{transform_indices = #map}, {transform_indices = #map1}, {transform_indices = #map}]} {
    %mul3A = arith.constant 2 : i32
    %mul3A_0 = arith.muli %arg1, %mul3A : i32
    %add3A = arith.addi %mul3A_0, %arg0 : i32
    %scan3A = arith.constant 0 : i32
    %scan3A_1 = arith.constant 0 : i32
    %scan3A_2 = arith.constant 16 : i32
    %scan3A_3 = arith.addi %scan3A_1, %scan3A_2 : i32
    %scan3A_4 = arith.constant 1 : i32
    scf.for %scan3A_6 = %scan3A_1 to %scan3A_3 step %scan3A_4  : i32 {
      %mul3A_7 = arith.constant 512 : i32
      %mul3A_8 = arith.muli %add3A, %mul3A_7 : i32
      %mul3A_9 = arith.constant 32 : i32
      %mul3A_10 = arith.muli %scan3A_6, %mul3A_9 : i32
      %add3A_11 = arith.addi %mul3A_8, %mul3A_10 : i32
      %mul3A_12 = arith.constant 12 : i32
      %mul3A_13 = arith.muli %add3A_11, %mul3A_12 : i32
      "tpu.region"() ({
        %run_scoped3A = tpu.sem_alloc : memref<!tpu.dma_semaphore, #tpu.memory_space<semaphore_mem>>
        %dma_start3A_80 = tpu.memref_slice %arg3[%mul3A_13] : memref<196608xi32, #tpu.memory_space<hbm>> -> memref<384xi32, #tpu.memory_space<hbm>>
        %dma_start3A_81 = tpu.memref_slice %arg3[%mul3A_13] : memref<196608xi32, #tpu.memory_space<hbm>> -> memref<384xi32, #tpu.memory_space<hbm>>
        tpu.enqueue_dma source(%dma_start3A_81 : memref<384xi32, #tpu.memory_space<hbm>>) target(%arg5 : memref<384xi32, #tpu.memory_space<vmem>>) target_semaphore(%run_scoped3A : memref<!tpu.dma_semaphore, #tpu.memory_space<semaphore_mem>>)
        %dma_wait3A_82 = tpu.memref_slice %arg3[%mul3A_13] : memref<196608xi32, #tpu.memory_space<hbm>> -> memref<384xi32, #tpu.memory_space<hbm>>
        %dma_wait3A_83 = tpu.memref_slice %arg3[%mul3A_13] : memref<196608xi32, #tpu.memory_space<hbm>> -> memref<384xi32, #tpu.memory_space<hbm>>
        tpu.wait_dma2 semaphore(%run_scoped3A : memref<!tpu.dma_semaphore, #tpu.memory_space<semaphore_mem>>) src(%dma_wait3A_83 : memref<384xi32, #tpu.memory_space<hbm>>) dst(%arg5 : memref<384xi32, #tpu.memory_space<vmem>>)
        tpu.yield
      }) : () -> ()
      %dma_start3A = arith.constant 0 : i32
      %dma_start3A_14 = arith.constant 0 : i32
      %dma_start3A_15 = tpu.memref_slice %arg6[%dma_start3A, %dma_start3A_14] : memref<384x128xf32, #tpu.memory_space<vmem>> -> memref<128x128xf32, #tpu.memory_space<vmem>>
      %dma_start3A_16 = arith.constant 0 : i32
      %dma_start3A_17 = tpu.memref_slice %arg5[%dma_start3A_16] : memref<384xi32, #tpu.memory_space<vmem>> -> memref<128xi32, #tpu.memory_space<vmem>>
      %dma_start3A_18 = arith.constant 0 : i32
      %dma_start3A_19 = arith.constant 0 : i32
      %dma_start3A_20 = tpu.memref_slice %arg2[%dma_start3A_18, %dma_start3A_19] : memref<16384x128xf32, #tpu.memory_space<hbm>> -> memref<16384x128xf32, #tpu.memory_space<hbm>>
      tpu.enqueue_indirect_dma source(%dma_start3A_20 : memref<16384x128xf32, #tpu.memory_space<hbm>>) target(%dma_start3A_15 : memref<128x128xf32, #tpu.memory_space<vmem>>) offsets(%dma_start3A_17 : memref<128xi32, #tpu.memory_space<vmem>>) semaphore(%arg9 : memref<!tpu.dma_semaphore, #tpu.memory_space<semaphore_mem>>)
      %dma_start3A_21 = arith.constant 128 : i32
      %dma_start3A_22 = arith.constant 0 : i32
      %dma_start3A_23 = tpu.memref_slice %arg6[%dma_start3A_21, %dma_start3A_22] : memref<384x128xf32, #tpu.memory_space<vmem>> -> memref<128x128xf32, #tpu.memory_space<vmem>>
      %dma_start3A_24 = arith.constant 128 : i32
      %dma_start3A_25 = tpu.memref_slice %arg5[%dma_start3A_24] : memref<384xi32, #tpu.memory_space<vmem>> -> memref<128xi32, #tpu.memory_space<vmem>>
      %dma_start3A_26 = arith.constant 0 : i32
      %dma_start3A_27 = arith.constant 0 : i32
      %dma_start3A_28 = tpu.memref_slice %arg2[%dma_start3A_26, %dma_start3A_27] : memref<16384x128xf32, #tpu.memory_space<hbm>> -> memref<16384x128xf32, #tpu.memory_space<hbm>>
      tpu.enqueue_indirect_dma source(%dma_start3A_28 : memref<16384x128xf32, #tpu.memory_space<hbm>>) target(%dma_start3A_23 : memref<128x128xf32, #tpu.memory_space<vmem>>) offsets(%dma_start3A_25 : memref<128xi32, #tpu.memory_space<vmem>>) semaphore(%arg9 : memref<!tpu.dma_semaphore, #tpu.memory_space<semaphore_mem>>)
      %dma_start3A_29 = arith.constant 256 : i32
      %dma_start3A_30 = arith.constant 0 : i32
      %dma_start3A_31 = tpu.memref_slice %arg6[%dma_start3A_29, %dma_start3A_30] : memref<384x128xf32, #tpu.memory_space<vmem>> -> memref<128x128xf32, #tpu.memory_space<vmem>>
      %dma_start3A_32 = arith.constant 256 : i32
      %dma_start3A_33 = tpu.memref_slice %arg5[%dma_start3A_32] : memref<384xi32, #tpu.memory_space<vmem>> -> memref<128xi32, #tpu.memory_space<vmem>>
      %dma_start3A_34 = arith.constant 0 : i32
      %dma_start3A_35 = arith.constant 0 : i32
      %dma_start3A_36 = tpu.memref_slice %arg2[%dma_start3A_34, %dma_start3A_35] : memref<16384x128xf32, #tpu.memory_space<hbm>> -> memref<16384x128xf32, #tpu.memory_space<hbm>>
      tpu.enqueue_indirect_dma source(%dma_start3A_36 : memref<16384x128xf32, #tpu.memory_space<hbm>>) target(%dma_start3A_31 : memref<128x128xf32, #tpu.memory_space<vmem>>) offsets(%dma_start3A_33 : memref<128xi32, #tpu.memory_space<vmem>>) semaphore(%arg9 : memref<!tpu.dma_semaphore, #tpu.memory_space<semaphore_mem>>)
      "tpu.region"() ({
        %run_scoped3A = tpu.sem_alloc : memref<!tpu.dma_semaphore, #tpu.memory_space<semaphore_mem>>
        %dma_start3A_80 = arith.constant 0 : i32
        %dma_start3A_81 = tpu.memref_slice %arg2[%add3A_11, %dma_start3A_80] : memref<16384x128xf32, #tpu.memory_space<hbm>> -> memref<32x128xf32, #tpu.memory_space<hbm>>
        %dma_start3A_82 = arith.constant 0 : i32
        %dma_start3A_83 = tpu.memref_slice %arg2[%add3A_11, %dma_start3A_82] : memref<16384x128xf32, #tpu.memory_space<hbm>> -> memref<32x128xf32, #tpu.memory_space<hbm>>
        tpu.enqueue_dma source(%dma_start3A_83 : memref<32x128xf32, #tpu.memory_space<hbm>>) target(%arg7 : memref<32x128xf32, #tpu.memory_space<vmem>>) target_semaphore(%run_scoped3A : memref<!tpu.dma_semaphore, #tpu.memory_space<semaphore_mem>>)
        %dma_wait3A_84 = arith.constant 0 : i32
        %dma_wait3A_85 = tpu.memref_slice %arg2[%add3A_11, %dma_wait3A_84] : memref<16384x128xf32, #tpu.memory_space<hbm>> -> memref<32x128xf32, #tpu.memory_space<hbm>>
        %dma_wait3A_86 = arith.constant 0 : i32
        %dma_wait3A_87 = tpu.memref_slice %arg2[%add3A_11, %dma_wait3A_86] : memref<16384x128xf32, #tpu.memory_space<hbm>> -> memref<32x128xf32, #tpu.memory_space<hbm>>
        tpu.wait_dma2 semaphore(%run_scoped3A : memref<!tpu.dma_semaphore, #tpu.memory_space<semaphore_mem>>) src(%dma_wait3A_87 : memref<32x128xf32, #tpu.memory_space<hbm>>) dst(%arg7 : memref<32x128xf32, #tpu.memory_space<vmem>>)
        tpu.yield
      }) : () -> ()
      %dma_wait3A = arith.constant 0 : i32
      %dma_wait3A_37 = arith.constant 0 : i32
      %dma_wait3A_38 = tpu.memref_slice %arg6[%dma_wait3A, %dma_wait3A_37] : memref<384x128xf32, #tpu.memory_space<vmem>> -> memref<128x128xf32, #tpu.memory_space<vmem>>
      %dma_wait3A_39 = arith.constant 0 : i32
      %dma_wait3A_40 = tpu.memref_slice %arg5[%dma_wait3A_39] : memref<384xi32, #tpu.memory_space<vmem>> -> memref<128xi32, #tpu.memory_space<vmem>>
      %dma_wait3A_41 = arith.constant 0 : i32
      %dma_wait3A_42 = arith.constant 0 : i32
      %dma_wait3A_43 = tpu.memref_slice %arg2[%dma_wait3A_41, %dma_wait3A_42] : memref<16384x128xf32, #tpu.memory_space<hbm>> -> memref<16384x128xf32, #tpu.memory_space<hbm>>
      tpu.wait_indirect_dma semaphore(%arg9 : memref<!tpu.dma_semaphore, #tpu.memory_space<semaphore_mem>>) src(%dma_wait3A_43 : memref<16384x128xf32, #tpu.memory_space<hbm>>) dst(%dma_wait3A_38 : memref<128x128xf32, #tpu.memory_space<vmem>>)
      %dma_wait3A_44 = arith.constant 128 : i32
      %dma_wait3A_45 = arith.constant 0 : i32
      %dma_wait3A_46 = tpu.memref_slice %arg6[%dma_wait3A_44, %dma_wait3A_45] : memref<384x128xf32, #tpu.memory_space<vmem>> -> memref<128x128xf32, #tpu.memory_space<vmem>>
      %dma_wait3A_47 = arith.constant 128 : i32
      %dma_wait3A_48 = tpu.memref_slice %arg5[%dma_wait3A_47] : memref<384xi32, #tpu.memory_space<vmem>> -> memref<128xi32, #tpu.memory_space<vmem>>
      %dma_wait3A_49 = arith.constant 0 : i32
      %dma_wait3A_50 = arith.constant 0 : i32
      %dma_wait3A_51 = tpu.memref_slice %arg2[%dma_wait3A_49, %dma_wait3A_50] : memref<16384x128xf32, #tpu.memory_space<hbm>> -> memref<16384x128xf32, #tpu.memory_space<hbm>>
      tpu.wait_indirect_dma semaphore(%arg9 : memref<!tpu.dma_semaphore, #tpu.memory_space<semaphore_mem>>) src(%dma_wait3A_51 : memref<16384x128xf32, #tpu.memory_space<hbm>>) dst(%dma_wait3A_46 : memref<128x128xf32, #tpu.memory_space<vmem>>)
      %dma_wait3A_52 = arith.constant 256 : i32
      %dma_wait3A_53 = arith.constant 0 : i32
      %dma_wait3A_54 = tpu.memref_slice %arg6[%dma_wait3A_52, %dma_wait3A_53] : memref<384x128xf32, #tpu.memory_space<vmem>> -> memref<128x128xf32, #tpu.memory_space<vmem>>
      %dma_wait3A_55 = arith.constant 256 : i32
      %dma_wait3A_56 = tpu.memref_slice %arg5[%dma_wait3A_55] : memref<384xi32, #tpu.memory_space<vmem>> -> memref<128xi32, #tpu.memory_space<vmem>>
      %dma_wait3A_57 = arith.constant 0 : i32
      %dma_wait3A_58 = arith.constant 0 : i32
      %dma_wait3A_59 = tpu.memref_slice %arg2[%dma_wait3A_57, %dma_wait3A_58] : memref<16384x128xf32, #tpu.memory_space<hbm>> -> memref<16384x128xf32, #tpu.memory_space<hbm>>
      tpu.wait_indirect_dma semaphore(%arg9 : memref<!tpu.dma_semaphore, #tpu.memory_space<semaphore_mem>>) src(%dma_wait3A_59 : memref<16384x128xf32, #tpu.memory_space<hbm>>) dst(%dma_wait3A_54 : memref<128x128xf32, #tpu.memory_space<vmem>>)
      %iota3A = tpu.iota {dimensions = array<i32: 0>} : vector<16xi32>
      %xor3A = arith.constant 8 : i32
      %xor3A_60 = vector.broadcast %xor3A : i32 to vector<16xi32>
      %xor3A_61 = arith.xori %iota3A, %xor3A_60 : vector<16xi32>
      %broadcast_in_dim3A = vector.shape_cast %xor3A_61 : vector<16xi32> to vector<16x1xi32>
      %xor3A_62 = arith.constant 4 : i32
      %xor3A_63 = vector.broadcast %xor3A_62 : i32 to vector<16xi32>
      %xor3A_64 = arith.xori %iota3A, %xor3A_63 : vector<16xi32>
      %broadcast_in_dim3A_65 = vector.shape_cast %xor3A_64 : vector<16xi32> to vector<16x1xi32>
      %xor3A_66 = arith.constant 2 : i32
      %xor3A_67 = vector.broadcast %xor3A_66 : i32 to vector<16xi32>
      %xor3A_68 = arith.xori %iota3A, %xor3A_67 : vector<16xi32>
      %broadcast_in_dim3A_69 = vector.shape_cast %xor3A_68 : vector<16xi32> to vector<16x1xi32>
      %xor3A_70 = arith.constant 1 : i32
      %xor3A_71 = vector.broadcast %xor3A_70 : i32 to vector<16xi32>
      %xor3A_72 = arith.xori %iota3A, %xor3A_71 : vector<16xi32>
      %broadcast_in_dim3A_73 = vector.shape_cast %xor3A_72 : vector<16xi32> to vector<16x1xi32>
      %scan3A_74 = arith.constant 0 : i32
      %scan3A_75 = arith.constant 0 : i32
      %scan3A_76 = arith.constant 32 : i32
      %scan3A_77 = arith.addi %scan3A_75, %scan3A_76 : i32
      %scan3A_78 = arith.constant 1 : i32
      scf.for %scan3A_80 = %scan3A_75 to %scan3A_77 step %scan3A_78  : i32 {
        %get3A = arith.index_cast %scan3A_80 : i32 to index
        %get3A_81 = arith.constant 0 : index
        %get3A_82 = tpu.vector_load %arg7[%get3A, %get3A_81] {strides = array<i32>} : memref<32x128xf32, #tpu.memory_space<vmem>>, vector<1x16xf32>,
        %get3A_83 = vector.shape_cast %get3A_82 : vector<1x16xf32> to vector<16xf32>
        %get3A_84 = arith.index_cast %scan3A_80 : i32 to index
        %get3A_85 = arith.constant 16 : index
        %get3A_86 = tpu.vector_load %arg7[%get3A_84, %get3A_85] {strides = array<i32>} : memref<32x128xf32, #tpu.memory_space<vmem>>, vector<1x16xf32>,
        %get3A_87 = vector.shape_cast %get3A_86 : vector<1x16xf32> to vector<16xf32>
        %get3A_88 = arith.index_cast %scan3A_80 : i32 to index
        %get3A_89 = arith.constant 32 : index
        %get3A_90 = tpu.vector_load %arg7[%get3A_88, %get3A_89] {strides = array<i32>} : memref<32x128xf32, #tpu.memory_space<vmem>>, vector<1x16xf32>,
        %get3A_91 = vector.shape_cast %get3A_90 : vector<1x16xf32> to vector<16xf32>
        %get3A_92 = arith.index_cast %scan3A_80 : i32 to index
        %get3A_93 = arith.constant 48 : index
        %get3A_94 = tpu.vector_load %arg7[%get3A_92, %get3A_93] {strides = array<i32>} : memref<32x128xf32, #tpu.memory_space<vmem>>, vector<1x16xf32>,
        %get3A_95 = vector.shape_cast %get3A_94 : vector<1x16xf32> to vector<16xf32>
        %get3A_96 = arith.index_cast %scan3A_80 : i32 to index
        %get3A_97 = arith.constant 64 : index
        %get3A_98 = tpu.vector_load %arg7[%get3A_96, %get3A_97] {strides = array<i32>} : memref<32x128xf32, #tpu.memory_space<vmem>>, vector<1x16xf32>,
        %get3A_99 = vector.shape_cast %get3A_98 : vector<1x16xf32> to vector<16xf32>
        %get3A_100 = arith.index_cast %scan3A_80 : i32 to index
        %get3A_101 = arith.constant 80 : index
        %get3A_102 = tpu.vector_load %arg7[%get3A_100, %get3A_101] {strides = array<i32>} : memref<32x128xf32, #tpu.memory_space<vmem>>, vector<1x16xf32>,
        %get3A_103 = vector.shape_cast %get3A_102 : vector<1x16xf32> to vector<16xf32>
        %get3A_104 = arith.index_cast %scan3A_80 : i32 to index
        %get3A_105 = arith.constant 96 : index
        %get3A_106 = tpu.vector_load %arg7[%get3A_104, %get3A_105] {strides = array<i32>} : memref<32x128xf32, #tpu.memory_space<vmem>>, vector<1x16xf32>,
        %get3A_107 = vector.shape_cast %get3A_106 : vector<1x16xf32> to vector<16xf32>
        %get3A_108 = arith.index_cast %scan3A_80 : i32 to index
        %get3A_109 = arith.constant 112 : index
        %get3A_110 = tpu.vector_load %arg7[%get3A_108, %get3A_109] {strides = array<i32>} : memref<32x128xf32, #tpu.memory_space<vmem>>, vector<1x16xf32>,
        %get3A_111 = vector.shape_cast %get3A_110 : vector<1x16xf32> to vector<16xf32>
        %broadcast_in_dim3A_112 = arith.constant 0.000000e+00 : f32
        %broadcast_in_dim3A_113 = vector.broadcast %broadcast_in_dim3A_112 : f32 to vector<16xf32>
        %mul3A_114 = arith.constant 12 : i32
        %mul3A_115 = arith.muli %scan3A_80, %mul3A_114 : i32
        %add3A_116 = arith.constant 0 : i32
        %add3A_117 = arith.addi %mul3A_115, %add3A_116 : i32
        %get3A_118 = arith.index_cast %add3A_117 : i32 to index
        %get3A_119 = arith.constant 0 : index
        %get3A_120 = tpu.vector_load %arg6[%get3A_118, %get3A_119] {strides = array<i32>} : memref<384x128xf32, #tpu.memory_space<vmem>>, vector<1x16xf32>,
        %get3A_121 = vector.shape_cast %get3A_120 : vector<1x16xf32> to vector<16xf32>
        %sub3A = arith.subf %get3A_83, %get3A_121 : vector<16xf32>
        %abs3A = math.absf %sub3A : vector<16xf32>
        %get3A_122 = arith.index_cast %add3A_117 : i32 to index
        %get3A_123 = arith.constant 16 : index
        %get3A_124 = tpu.vector_load %arg6[%get3A_122, %get3A_123] {strides = array<i32>} : memref<384x128xf32, #tpu.memory_space<vmem>>, vector<1x16xf32>,
        %get3A_125 = vector.shape_cast %get3A_124 : vector<1x16xf32> to vector<16xf32>
        %sub3A_126 = arith.subf %get3A_87, %get3A_125 : vector<16xf32>
        %abs3A_127 = math.absf %sub3A_126 : vector<16xf32>
        %add3A_128 = arith.addf %abs3A, %abs3A_127 : vector<16xf32>
        %get3A_129 = arith.index_cast %add3A_117 : i32 to index
        %get3A_130 = arith.constant 32 : index
        %get3A_131 = tpu.vector_load %arg6[%get3A_129, %get3A_130] {strides = array<i32>} : memref<384x128xf32, #tpu.memory_space<vmem>>, vector<1x16xf32>,
        %get3A_132 = vector.shape_cast %get3A_131 : vector<1x16xf32> to vector<16xf32>
        %sub3A_133 = arith.subf %get3A_91, %get3A_132 : vector<16xf32>
        %abs3A_134 = math.absf %sub3A_133 : vector<16xf32>
        %add3A_135 = arith.addf %add3A_128, %abs3A_134 : vector<16xf32>
        %get3A_136 = arith.index_cast %add3A_117 : i32 to index
        %get3A_137 = arith.constant 48 : index
        %get3A_138 = tpu.vector_load %arg6[%get3A_136, %get3A_137] {strides = array<i32>} : memref<384x128xf32, #tpu.memory_space<vmem>>, vector<1x16xf32>,
        %get3A_139 = vector.shape_cast %get3A_138 : vector<1x16xf32> to vector<16xf32>
        %sub3A_140 = arith.subf %get3A_95, %get3A_139 : vector<16xf32>
        %abs3A_141 = math.absf %sub3A_140 : vector<16xf32>
        %add3A_142 = arith.addf %add3A_135, %abs3A_141 : vector<16xf32>
        %get3A_143 = arith.index_cast %add3A_117 : i32 to index
        %get3A_144 = arith.constant 64 : index
        %get3A_145 = tpu.vector_load %arg6[%get3A_143, %get3A_144] {strides = array<i32>} : memref<384x128xf32, #tpu.memory_space<vmem>>, vector<1x16xf32>,
        %get3A_146 = vector.shape_cast %get3A_145 : vector<1x16xf32> to vector<16xf32>
        %sub3A_147 = arith.subf %get3A_99, %get3A_146 : vector<16xf32>
        %abs3A_148 = math.absf %sub3A_147 : vector<16xf32>
        %add3A_149 = arith.addf %add3A_142, %abs3A_148 : vector<16xf32>
        %get3A_150 = arith.index_cast %add3A_117 : i32 to index
        %get3A_151 = arith.constant 80 : index
        %get3A_152 = tpu.vector_load %arg6[%get3A_150, %get3A_151] {strides = array<i32>} : memref<384x128xf32, #tpu.memory_space<vmem>>, vector<1x16xf32>,
        %get3A_153 = vector.shape_cast %get3A_152 : vector<1x16xf32> to vector<16xf32>
        %sub3A_154 = arith.subf %get3A_103, %get3A_153 : vector<16xf32>
        %abs3A_155 = math.absf %sub3A_154 : vector<16xf32>
        %add3A_156 = arith.addf %add3A_149, %abs3A_155 : vector<16xf32>
        %get3A_157 = arith.index_cast %add3A_117 : i32 to index
        %get3A_158 = arith.constant 96 : index
        %get3A_159 = tpu.vector_load %arg6[%get3A_157, %get3A_158] {strides = array<i32>} : memref<384x128xf32, #tpu.memory_space<vmem>>, vector<1x16xf32>,
        %get3A_160 = vector.shape_cast %get3A_159 : vector<1x16xf32> to vector<16xf32>
        %sub3A_161 = arith.subf %get3A_107, %get3A_160 : vector<16xf32>
        %abs3A_162 = math.absf %sub3A_161 : vector<16xf32>
        %add3A_163 = arith.addf %add3A_156, %abs3A_162 : vector<16xf32>
        %get3A_164 = arith.index_cast %add3A_117 : i32 to index
        %get3A_165 = arith.constant 112 : index
        %get3A_166 = tpu.vector_load %arg6[%get3A_164, %get3A_165] {strides = array<i32>} : memref<384x128xf32, #tpu.memory_space<vmem>>, vector<1x16xf32>,
        %get3A_167 = vector.shape_cast %get3A_166 : vector<1x16xf32> to vector<16xf32>
        %sub3A_168 = arith.subf %get3A_111, %get3A_167 : vector<16xf32>
        %abs3A_169 = math.absf %sub3A_168 : vector<16xf32>
        %add3A_170 = arith.addf %add3A_163, %abs3A_169 : vector<16xf32>
        %gather3A = vector.shape_cast %broadcast_in_dim3A : vector<16x1xi32> to vector<16xi32>
        %gather3A_171 = tpu.dynamic_gather %add3A_170[%gather3A] in [0] : vector<16xf32>, vector<16xi32> -> vector<16xf32>
        %add3A_172 = arith.addf %add3A_170, %gather3A_171 : vector<16xf32>
        %gather3A_173 = vector.shape_cast %broadcast_in_dim3A_65 : vector<16x1xi32> to vector<16xi32>
        %gather3A_174 = tpu.dynamic_gather %add3A_172[%gather3A_173] in [0] : vector<16xf32>, vector<16xi32> -> vector<16xf32>
        %add3A_175 = arith.addf %add3A_172, %gather3A_174 : vector<16xf32>
        %gather3A_176 = vector.shape_cast %broadcast_in_dim3A_69 : vector<16x1xi32> to vector<16xi32>
        %gather3A_177 = tpu.dynamic_gather %add3A_175[%gather3A_176] in [0] : vector<16xf32>, vector<16xi32> -> vector<16xf32>
        %add3A_178 = arith.addf %add3A_175, %gather3A_177 : vector<16xf32>
        %gather3A_179 = vector.shape_cast %broadcast_in_dim3A_73 : vector<16x1xi32> to vector<16xi32>
        %gather3A_180 = tpu.dynamic_gather %add3A_178[%gather3A_179] in [0] : vector<16xf32>, vector<16xi32> -> vector<16xf32>
        %add3A_181 = arith.addf %add3A_178, %gather3A_180 : vector<16xf32>
        %eq3A = arith.constant 0 : i32
        %eq3A_182 = vector.broadcast %eq3A : i32 to vector<16xi32>
        %eq3A_183 = arith.cmpi eq, %iota3A, %eq3A_182 : vector<16xi32>
        %select_n3A = arith.select %eq3A_183, %add3A_181, %broadcast_in_dim3A_113 : vector<16xi1>, vector<16xf32>
        %mul3A_184 = arith.constant 12 : i32
        %mul3A_185 = arith.muli %scan3A_80, %mul3A_184 : i32
        %add3A_186 = arith.constant 1 : i32
        %add3A_187 = arith.addi %mul3A_185, %add3A_186 : i32
        %get3A_188 = arith.index_cast %add3A_187 : i32 to index
        %get3A_189 = arith.constant 0 : index
        %get3A_190 = tpu.vector_load %arg6[%get3A_188, %get3A_189] {strides = array<i32>} : memref<384x128xf32, #tpu.memory_space<vmem>>, vector<1x16xf32>,
        %get3A_191 = vector.shape_cast %get3A_190 : vector<1x16xf32> to vector<16xf32>
        %sub3A_192 = arith.subf %get3A_83, %get3A_191 : vector<16xf32>
        %abs3A_193 = math.absf %sub3A_192 : vector<16xf32>
        %get3A_194 = arith.index_cast %add3A_187 : i32 to index
        %get3A_195 = arith.constant 16 : index
        %get3A_196 = tpu.vector_load %arg6[%get3A_194, %get3A_195] {strides = array<i32>} : memref<384x128xf32, #tpu.memory_space<vmem>>, vector<1x16xf32>,
        %get3A_197 = vector.shape_cast %get3A_196 : vector<1x16xf32> to vector<16xf32>
        %sub3A_198 = arith.subf %get3A_87, %get3A_197 : vector<16xf32>
        %abs3A_199 = math.absf %sub3A_198 : vector<16xf32>
        %add3A_200 = arith.addf %abs3A_193, %abs3A_199 : vector<16xf32>
        %get3A_201 = arith.index_cast %add3A_187 : i32 to index
        %get3A_202 = arith.constant 32 : index
        %get3A_203 = tpu.vector_load %arg6[%get3A_201, %get3A_202] {strides = array<i32>} : memref<384x128xf32, #tpu.memory_space<vmem>>, vector<1x16xf32>,
        %get3A_204 = vector.shape_cast %get3A_203 : vector<1x16xf32> to vector<16xf32>
        %sub3A_205 = arith.subf %get3A_91, %get3A_204 : vector<16xf32>
        %abs3A_206 = math.absf %sub3A_205 : vector<16xf32>
        %add3A_207 = arith.addf %add3A_200, %abs3A_206 : vector<16xf32>
        %get3A_208 = arith.index_cast %add3A_187 : i32 to index
        %get3A_209 = arith.constant 48 : index
        %get3A_210 = tpu.vector_load %arg6[%get3A_208, %get3A_209] {strides = array<i32>} : memref<384x128xf32, #tpu.memory_space<vmem>>, vector<1x16xf32>,
        %get3A_211 = vector.shape_cast %get3A_210 : vector<1x16xf32> to vector<16xf32>
        %sub3A_212 = arith.subf %get3A_95, %get3A_211 : vector<16xf32>
        %abs3A_213 = math.absf %sub3A_212 : vector<16xf32>
        %add3A_214 = arith.addf %add3A_207, %abs3A_213 : vector<16xf32>
        %get3A_215 = arith.index_cast %add3A_187 : i32 to index
        %get3A_216 = arith.constant 64 : index
        %get3A_217 = tpu.vector_load %arg6[%get3A_215, %get3A_216] {strides = array<i32>} : memref<384x128xf32, #tpu.memory_space<vmem>>, vector<1x16xf32>,
        %get3A_218 = vector.shape_cast %get3A_217 : vector<1x16xf32> to vector<16xf32>
        %sub3A_219 = arith.subf %get3A_99, %get3A_218 : vector<16xf32>
        %abs3A_220 = math.absf %sub3A_219 : vector<16xf32>
        %add3A_221 = arith.addf %add3A_214, %abs3A_220 : vector<16xf32>
        %get3A_222 = arith.index_cast %add3A_187 : i32 to index
        %get3A_223 = arith.constant 80 : index
        %get3A_224 = tpu.vector_load %arg6[%get3A_222, %get3A_223] {strides = array<i32>} : memref<384x128xf32, #tpu.memory_space<vmem>>, vector<1x16xf32>,
        %get3A_225 = vector.shape_cast %get3A_224 : vector<1x16xf32> to vector<16xf32>
        %sub3A_226 = arith.subf %get3A_103, %get3A_225 : vector<16xf32>
        %abs3A_227 = math.absf %sub3A_226 : vector<16xf32>
        %add3A_228 = arith.addf %add3A_221, %abs3A_227 : vector<16xf32>
        %get3A_229 = arith.index_cast %add3A_187 : i32 to index
        %get3A_230 = arith.constant 96 : index
        %get3A_231 = tpu.vector_load %arg6[%get3A_229, %get3A_230] {strides = array<i32>} : memref<384x128xf32, #tpu.memory_space<vmem>>, vector<1x16xf32>,
        %get3A_232 = vector.shape_cast %get3A_231 : vector<1x16xf32> to vector<16xf32>
        %sub3A_233 = arith.subf %get3A_107, %get3A_232 : vector<16xf32>
        %abs3A_234 = math.absf %sub3A_233 : vector<16xf32>
        %add3A_235 = arith.addf %add3A_228, %abs3A_234 : vector<16xf32>
        %get3A_236 = arith.index_cast %add3A_187 : i32 to index
        %get3A_237 = arith.constant 112 : index
        %get3A_238 = tpu.vector_load %arg6[%get3A_236, %get3A_237] {strides = array<i32>} : memref<384x128xf32, #tpu.memory_space<vmem>>, vector<1x16xf32>,
        %get3A_239 = vector.shape_cast %get3A_238 : vector<1x16xf32> to vector<16xf32>
        %sub3A_240 = arith.subf %get3A_111, %get3A_239 : vector<16xf32>
        %abs3A_241 = math.absf %sub3A_240 : vector<16xf32>
        %add3A_242 = arith.addf %add3A_235, %abs3A_241 : vector<16xf32>
        %gather3A_243 = vector.shape_cast %broadcast_in_dim3A : vector<16x1xi32> to vector<16xi32>
        %gather3A_244 = tpu.dynamic_gather %add3A_242[%gather3A_243] in [0] : vector<16xf32>, vector<16xi32> -> vector<16xf32>
        %add3A_245 = arith.addf %add3A_242, %gather3A_244 : vector<16xf32>
        %gather3A_246 = vector.shape_cast %broadcast_in_dim3A_65 : vector<16x1xi32> to vector<16xi32>
        %gather3A_247 = tpu.dynamic_gather %add3A_245[%gather3A_246] in [0] : vector<16xf32>, vector<16xi32> -> vector<16xf32>
        %add3A_248 = arith.addf %add3A_245, %gather3A_247 : vector<16xf32>
        %gather3A_249 = vector.shape_cast %broadcast_in_dim3A_69 : vector<16x1xi32> to vector<16xi32>
        %gather3A_250 = tpu.dynamic_gather %add3A_248[%gather3A_249] in [0] : vector<16xf32>, vector<16xi32> -> vector<16xf32>
        %add3A_251 = arith.addf %add3A_248, %gather3A_250 : vector<16xf32>
        %gather3A_252 = vector.shape_cast %broadcast_in_dim3A_73 : vector<16x1xi32> to vector<16xi32>
        %gather3A_253 = tpu.dynamic_gather %add3A_251[%gather3A_252] in [0] : vector<16xf32>, vector<16xi32> -> vector<16xf32>
        %add3A_254 = arith.addf %add3A_251, %gather3A_253 : vector<16xf32>
        %eq3A_255 = arith.constant 1 : i32
        %eq3A_256 = vector.broadcast %eq3A_255 : i32 to vector<16xi32>
        %eq3A_257 = arith.cmpi eq, %iota3A, %eq3A_256 : vector<16xi32>
        %select_n3A_258 = arith.select %eq3A_257, %add3A_254, %select_n3A : vector<16xi1>, vector<16xf32>
        %mul3A_259 = arith.constant 12 : i32
        %mul3A_260 = arith.muli %scan3A_80, %mul3A_259 : i32
        %add3A_261 = arith.constant 2 : i32
        %add3A_262 = arith.addi %mul3A_260, %add3A_261 : i32
        %get3A_263 = arith.index_cast %add3A_262 : i32 to index
        %get3A_264 = arith.constant 0 : index
        %get3A_265 = tpu.vector_load %arg6[%get3A_263, %get3A_264] {strides = array<i32>} : memref<384x128xf32, #tpu.memory_space<vmem>>, vector<1x16xf32>,
        %get3A_266 = vector.shape_cast %get3A_265 : vector<1x16xf32> to vector<16xf32>
        %sub3A_267 = arith.subf %get3A_83, %get3A_266 : vector<16xf32>
        %abs3A_268 = math.absf %sub3A_267 : vector<16xf32>
        %get3A_269 = arith.index_cast %add3A_262 : i32 to index
        %get3A_270 = arith.constant 16 : index
        %get3A_271 = tpu.vector_load %arg6[%get3A_269, %get3A_270] {strides = array<i32>} : memref<384x128xf32, #tpu.memory_space<vmem>>, vector<1x16xf32>,
        %get3A_272 = vector.shape_cast %get3A_271 : vector<1x16xf32> to vector<16xf32>
        %sub3A_273 = arith.subf %get3A_87, %get3A_272 : vector<16xf32>
        %abs3A_274 = math.absf %sub3A_273 : vector<16xf32>
        %add3A_275 = arith.addf %abs3A_268, %abs3A_274 : vector<16xf32>
        %get3A_276 = arith.index_cast %add3A_262 : i32 to index
        %get3A_277 = arith.constant 32 : index
        %get3A_278 = tpu.vector_load %arg6[%get3A_276, %get3A_277] {strides = array<i32>} : memref<384x128xf32, #tpu.memory_space<vmem>>, vector<1x16xf32>,
        %get3A_279 = vector.shape_cast %get3A_278 : vector<1x16xf32> to vector<16xf32>
        %sub3A_280 = arith.subf %get3A_91, %get3A_279 : vector<16xf32>
        %abs3A_281 = math.absf %sub3A_280 : vector<16xf32>
        %add3A_282 = arith.addf %add3A_275, %abs3A_281 : vector<16xf32>
        %get3A_283 = arith.index_cast %add3A_262 : i32 to index
        %get3A_284 = arith.constant 48 : index
        %get3A_285 = tpu.vector_load %arg6[%get3A_283, %get3A_284] {strides = array<i32>} : memref<384x128xf32, #tpu.memory_space<vmem>>, vector<1x16xf32>,
        %get3A_286 = vector.shape_cast %get3A_285 : vector<1x16xf32> to vector<16xf32>
        %sub3A_287 = arith.subf %get3A_95, %get3A_286 : vector<16xf32>
        %abs3A_288 = math.absf %sub3A_287 : vector<16xf32>
        %add3A_289 = arith.addf %add3A_282, %abs3A_288 : vector<16xf32>
        %get3A_290 = arith.index_cast %add3A_262 : i32 to index
        %get3A_291 = arith.constant 64 : index
        %get3A_292 = tpu.vector_load %arg6[%get3A_290, %get3A_291] {strides = array<i32>} : memref<384x128xf32, #tpu.memory_space<vmem>>, vector<1x16xf32>,
        %get3A_293 = vector.shape_cast %get3A_292 : vector<1x16xf32> to vector<16xf32>
        %sub3A_294 = arith.subf %get3A_99, %get3A_293 : vector<16xf32>
        %abs3A_295 = math.absf %sub3A_294 : vector<16xf32>
        %add3A_296 = arith.addf %add3A_289, %abs3A_295 : vector<16xf32>
        %get3A_297 = arith.index_cast %add3A_262 : i32 to index
        %get3A_298 = arith.constant 80 : index
        %get3A_299 = tpu.vector_load %arg6[%get3A_297, %get3A_298] {strides = array<i32>} : memref<384x128xf32, #tpu.memory_space<vmem>>, vector<1x16xf32>,
        %get3A_300 = vector.shape_cast %get3A_299 : vector<1x16xf32> to vector<16xf32>
        %sub3A_301 = arith.subf %get3A_103, %get3A_300 : vector<16xf32>
        %abs3A_302 = math.absf %sub3A_301 : vector<16xf32>
        %add3A_303 = arith.addf %add3A_296, %abs3A_302 : vector<16xf32>
        %get3A_304 = arith.index_cast %add3A_262 : i32 to index
        %get3A_305 = arith.constant 96 : index
        %get3A_306 = tpu.vector_load %arg6[%get3A_304, %get3A_305] {strides = array<i32>} : memref<384x128xf32, #tpu.memory_space<vmem>>, vector<1x16xf32>,
        %get3A_307 = vector.shape_cast %get3A_306 : vector<1x16xf32> to vector<16xf32>
        %sub3A_308 = arith.subf %get3A_107, %get3A_307 : vector<16xf32>
        %abs3A_309 = math.absf %sub3A_308 : vector<16xf32>
        %add3A_310 = arith.addf %add3A_303, %abs3A_309 : vector<16xf32>
        %get3A_311 = arith.index_cast %add3A_262 : i32 to index
        %get3A_312 = arith.constant 112 : index
        %get3A_313 = tpu.vector_load %arg6[%get3A_311, %get3A_312] {strides = array<i32>} : memref<384x128xf32, #tpu.memory_space<vmem>>, vector<1x16xf32>,
        %get3A_314 = vector.shape_cast %get3A_313 : vector<1x16xf32> to vector<16xf32>
        %sub3A_315 = arith.subf %get3A_111, %get3A_314 : vector<16xf32>
        %abs3A_316 = math.absf %sub3A_315 : vector<16xf32>
        %add3A_317 = arith.addf %add3A_310, %abs3A_316 : vector<16xf32>
        %gather3A_318 = vector.shape_cast %broadcast_in_dim3A : vector<16x1xi32> to vector<16xi32>
        %gather3A_319 = tpu.dynamic_gather %add3A_317[%gather3A_318] in [0] : vector<16xf32>, vector<16xi32> -> vector<16xf32>
        %add3A_320 = arith.addf %add3A_317, %gather3A_319 : vector<16xf32>
        %gather3A_321 = vector.shape_cast %broadcast_in_dim3A_65 : vector<16x1xi32> to vector<16xi32>
        %gather3A_322 = tpu.dynamic_gather %add3A_320[%gather3A_321] in [0] : vector<16xf32>, vector<16xi32> -> vector<16xf32>
        %add3A_323 = arith.addf %add3A_320, %gather3A_322 : vector<16xf32>
        %gather3A_324 = vector.shape_cast %broadcast_in_dim3A_69 : vector<16x1xi32> to vector<16xi32>
        %gather3A_325 = tpu.dynamic_gather %add3A_323[%gather3A_324] in [0] : vector<16xf32>, vector<16xi32> -> vector<16xf32>
        %add3A_326 = arith.addf %add3A_323, %gather3A_325 : vector<16xf32>
        %gather3A_327 = vector.shape_cast %broadcast_in_dim3A_73 : vector<16x1xi32> to vector<16xi32>
        %gather3A_328 = tpu.dynamic_gather %add3A_326[%gather3A_327] in [0] : vector<16xf32>, vector<16xi32> -> vector<16xf32>
        %add3A_329 = arith.addf %add3A_326, %gather3A_328 : vector<16xf32>
        %eq3A_330 = arith.constant 2 : i32
        %eq3A_331 = vector.broadcast %eq3A_330 : i32 to vector<16xi32>
        %eq3A_332 = arith.cmpi eq, %iota3A, %eq3A_331 : vector<16xi32>
        %select_n3A_333 = arith.select %eq3A_332, %add3A_329, %select_n3A_258 : vector<16xi1>, vector<16xf32>
        %mul3A_334 = arith.constant 12 : i32
        %mul3A_335 = arith.muli %scan3A_80, %mul3A_334 : i32
        %add3A_336 = arith.constant 3 : i32
        %add3A_337 = arith.addi %mul3A_335, %add3A_336 : i32
        %get3A_338 = arith.index_cast %add3A_337 : i32 to index
        %get3A_339 = arith.constant 0 : index
        %get3A_340 = tpu.vector_load %arg6[%get3A_338, %get3A_339] {strides = array<i32>} : memref<384x128xf32, #tpu.memory_space<vmem>>, vector<1x16xf32>,
        %get3A_341 = vector.shape_cast %get3A_340 : vector<1x16xf32> to vector<16xf32>
        %sub3A_342 = arith.subf %get3A_83, %get3A_341 : vector<16xf32>
        %abs3A_343 = math.absf %sub3A_342 : vector<16xf32>
        %get3A_344 = arith.index_cast %add3A_337 : i32 to index
        %get3A_345 = arith.constant 16 : index
        %get3A_346 = tpu.vector_load %arg6[%get3A_344, %get3A_345] {strides = array<i32>} : memref<384x128xf32, #tpu.memory_space<vmem>>, vector<1x16xf32>,
        %get3A_347 = vector.shape_cast %get3A_346 : vector<1x16xf32> to vector<16xf32>
        %sub3A_348 = arith.subf %get3A_87, %get3A_347 : vector<16xf32>
        %abs3A_349 = math.absf %sub3A_348 : vector<16xf32>
        %add3A_350 = arith.addf %abs3A_343, %abs3A_349 : vector<16xf32>
        %get3A_351 = arith.index_cast %add3A_337 : i32 to index
        %get3A_352 = arith.constant 32 : index
        %get3A_353 = tpu.vector_load %arg6[%get3A_351, %get3A_352] {strides = array<i32>} : memref<384x128xf32, #tpu.memory_space<vmem>>, vector<1x16xf32>,
        %get3A_354 = vector.shape_cast %get3A_353 : vector<1x16xf32> to vector<16xf32>
        %sub3A_355 = arith.subf %get3A_91, %get3A_354 : vector<16xf32>
        %abs3A_356 = math.absf %sub3A_355 : vector<16xf32>
        %add3A_357 = arith.addf %add3A_350, %abs3A_356 : vector<16xf32>
        %get3A_358 = arith.index_cast %add3A_337 : i32 to index
        %get3A_359 = arith.constant 48 : index
        %get3A_360 = tpu.vector_load %arg6[%get3A_358, %get3A_359] {strides = array<i32>} : memref<384x128xf32, #tpu.memory_space<vmem>>, vector<1x16xf32>,
        %get3A_361 = vector.shape_cast %get3A_360 : vector<1x16xf32> to vector<16xf32>
        %sub3A_362 = arith.subf %get3A_95, %get3A_361 : vector<16xf32>
        %abs3A_363 = math.absf %sub3A_362 : vector<16xf32>
        %add3A_364 = arith.addf %add3A_357, %abs3A_363 : vector<16xf32>
        %get3A_365 = arith.index_cast %add3A_337 : i32 to index
        %get3A_366 = arith.constant 64 : index
        %get3A_367 = tpu.vector_load %arg6[%get3A_365, %get3A_366] {strides = array<i32>} : memref<384x128xf32, #tpu.memory_space<vmem>>, vector<1x16xf32>,
        %get3A_368 = vector.shape_cast %get3A_367 : vector<1x16xf32> to vector<16xf32>
        %sub3A_369 = arith.subf %get3A_99, %get3A_368 : vector<16xf32>
        %abs3A_370 = math.absf %sub3A_369 : vector<16xf32>
        %add3A_371 = arith.addf %add3A_364, %abs3A_370 : vector<16xf32>
        %get3A_372 = arith.index_cast %add3A_337 : i32 to index
        %get3A_373 = arith.constant 80 : index
        %get3A_374 = tpu.vector_load %arg6[%get3A_372, %get3A_373] {strides = array<i32>} : memref<384x128xf32, #tpu.memory_space<vmem>>, vector<1x16xf32>,
        %get3A_375 = vector.shape_cast %get3A_374 : vector<1x16xf32> to vector<16xf32>
        %sub3A_376 = arith.subf %get3A_103, %get3A_375 : vector<16xf32>
        %abs3A_377 = math.absf %sub3A_376 : vector<16xf32>
        %add3A_378 = arith.addf %add3A_371, %abs3A_377 : vector<16xf32>
        %get3A_379 = arith.index_cast %add3A_337 : i32 to index
        %get3A_380 = arith.constant 96 : index
        %get3A_381 = tpu.vector_load %arg6[%get3A_379, %get3A_380] {strides = array<i32>} : memref<384x128xf32, #tpu.memory_space<vmem>>, vector<1x16xf32>,
        %get3A_382 = vector.shape_cast %get3A_381 : vector<1x16xf32> to vector<16xf32>
        %sub3A_383 = arith.subf %get3A_107, %get3A_382 : vector<16xf32>
        %abs3A_384 = math.absf %sub3A_383 : vector<16xf32>
        %add3A_385 = arith.addf %add3A_378, %abs3A_384 : vector<16xf32>
        %get3A_386 = arith.index_cast %add3A_337 : i32 to index
        %get3A_387 = arith.constant 112 : index
        %get3A_388 = tpu.vector_load %arg6[%get3A_386, %get3A_387] {strides = array<i32>} : memref<384x128xf32, #tpu.memory_space<vmem>>, vector<1x16xf32>,
        %get3A_389 = vector.shape_cast %get3A_388 : vector<1x16xf32> to vector<16xf32>
        %sub3A_390 = arith.subf %get3A_111, %get3A_389 : vector<16xf32>
        %abs3A_391 = math.absf %sub3A_390 : vector<16xf32>
        %add3A_392 = arith.addf %add3A_385, %abs3A_391 : vector<16xf32>
        %gather3A_393 = vector.shape_cast %broadcast_in_dim3A : vector<16x1xi32> to vector<16xi32>
        %gather3A_394 = tpu.dynamic_gather %add3A_392[%gather3A_393] in [0] : vector<16xf32>, vector<16xi32> -> vector<16xf32>
        %add3A_395 = arith.addf %add3A_392, %gather3A_394 : vector<16xf32>
        %gather3A_396 = vector.shape_cast %broadcast_in_dim3A_65 : vector<16x1xi32> to vector<16xi32>
        %gather3A_397 = tpu.dynamic_gather %add3A_395[%gather3A_396] in [0] : vector<16xf32>, vector<16xi32> -> vector<16xf32>
        %add3A_398 = arith.addf %add3A_395, %gather3A_397 : vector<16xf32>
        %gather3A_399 = vector.shape_cast %broadcast_in_dim3A_69 : vector<16x1xi32> to vector<16xi32>
        %gather3A_400 = tpu.dynamic_gather %add3A_398[%gather3A_399] in [0] : vector<16xf32>, vector<16xi32> -> vector<16xf32>
        %add3A_401 = arith.addf %add3A_398, %gather3A_400 : vector<16xf32>
        %gather3A_402 = vector.shape_cast %broadcast_in_dim3A_73 : vector<16x1xi32> to vector<16xi32>
        %gather3A_403 = tpu.dynamic_gather %add3A_401[%gather3A_402] in [0] : vector<16xf32>, vector<16xi32> -> vector<16xf32>
        %add3A_404 = arith.addf %add3A_401, %gather3A_403 : vector<16xf32>
        %eq3A_405 = arith.constant 3 : i32
        %eq3A_406 = vector.broadcast %eq3A_405 : i32 to vector<16xi32>
        %eq3A_407 = arith.cmpi eq, %iota3A, %eq3A_406 : vector<16xi32>
        %select_n3A_408 = arith.select %eq3A_407, %add3A_404, %select_n3A_333 : vector<16xi1>, vector<16xf32>
        %mul3A_409 = arith.constant 12 : i32
        %mul3A_410 = arith.muli %scan3A_80, %mul3A_409 : i32
        %add3A_411 = arith.constant 4 : i32
        %add3A_412 = arith.addi %mul3A_410, %add3A_411 : i32
        %get3A_413 = arith.index_cast %add3A_412 : i32 to index
        %get3A_414 = arith.constant 0 : index
        %get3A_415 = tpu.vector_load %arg6[%get3A_413, %get3A_414] {strides = array<i32>} : memref<384x128xf32, #tpu.memory_space<vmem>>, vector<1x16xf32>,
        %get3A_416 = vector.shape_cast %get3A_415 : vector<1x16xf32> to vector<16xf32>
        %sub3A_417 = arith.subf %get3A_83, %get3A_416 : vector<16xf32>
        %abs3A_418 = math.absf %sub3A_417 : vector<16xf32>
        %get3A_419 = arith.index_cast %add3A_412 : i32 to index
        %get3A_420 = arith.constant 16 : index
        %get3A_421 = tpu.vector_load %arg6[%get3A_419, %get3A_420] {strides = array<i32>} : memref<384x128xf32, #tpu.memory_space<vmem>>, vector<1x16xf32>,
        %get3A_422 = vector.shape_cast %get3A_421 : vector<1x16xf32> to vector<16xf32>
        %sub3A_423 = arith.subf %get3A_87, %get3A_422 : vector<16xf32>
        %abs3A_424 = math.absf %sub3A_423 : vector<16xf32>
        %add3A_425 = arith.addf %abs3A_418, %abs3A_424 : vector<16xf32>
        %get3A_426 = arith.index_cast %add3A_412 : i32 to index
        %get3A_427 = arith.constant 32 : index
        %get3A_428 = tpu.vector_load %arg6[%get3A_426, %get3A_427] {strides = array<i32>} : memref<384x128xf32, #tpu.memory_space<vmem>>, vector<1x16xf32>,
        %get3A_429 = vector.shape_cast %get3A_428 : vector<1x16xf32> to vector<16xf32>
        %sub3A_430 = arith.subf %get3A_91, %get3A_429 : vector<16xf32>
        %abs3A_431 = math.absf %sub3A_430 : vector<16xf32>
        %add3A_432 = arith.addf %add3A_425, %abs3A_431 : vector<16xf32>
        %get3A_433 = arith.index_cast %add3A_412 : i32 to index
        %get3A_434 = arith.constant 48 : index
        %get3A_435 = tpu.vector_load %arg6[%get3A_433, %get3A_434] {strides = array<i32>} : memref<384x128xf32, #tpu.memory_space<vmem>>, vector<1x16xf32>,
        %get3A_436 = vector.shape_cast %get3A_435 : vector<1x16xf32> to vector<16xf32>
        %sub3A_437 = arith.subf %get3A_95, %get3A_436 : vector<16xf32>
        %abs3A_438 = math.absf %sub3A_437 : vector<16xf32>
        %add3A_439 = arith.addf %add3A_432, %abs3A_438 : vector<16xf32>
        %get3A_440 = arith.index_cast %add3A_412 : i32 to index
        %get3A_441 = arith.constant 64 : index
        %get3A_442 = tpu.vector_load %arg6[%get3A_440, %get3A_441] {strides = array<i32>} : memref<384x128xf32, #tpu.memory_space<vmem>>, vector<1x16xf32>,
        %get3A_443 = vector.shape_cast %get3A_442 : vector<1x16xf32> to vector<16xf32>
        %sub3A_444 = arith.subf %get3A_99, %get3A_443 : vector<16xf32>
        %abs3A_445 = math.absf %sub3A_444 : vector<16xf32>
        %add3A_446 = arith.addf %add3A_439, %abs3A_445 : vector<16xf32>
        %get3A_447 = arith.index_cast %add3A_412 : i32 to index
        %get3A_448 = arith.constant 80 : index
        %get3A_449 = tpu.vector_load %arg6[%get3A_447, %get3A_448] {strides = array<i32>} : memref<384x128xf32, #tpu.memory_space<vmem>>, vector<1x16xf32>,
        %get3A_450 = vector.shape_cast %get3A_449 : vector<1x16xf32> to vector<16xf32>
        %sub3A_451 = arith.subf %get3A_103, %get3A_450 : vector<16xf32>
        %abs3A_452 = math.absf %sub3A_451 : vector<16xf32>
        %add3A_453 = arith.addf %add3A_446, %abs3A_452 : vector<16xf32>
        %get3A_454 = arith.index_cast %add3A_412 : i32 to index
        %get3A_455 = arith.constant 96 : index
        %get3A_456 = tpu.vector_load %arg6[%get3A_454, %get3A_455] {strides = array<i32>} : memref<384x128xf32, #tpu.memory_space<vmem>>, vector<1x16xf32>,
        %get3A_457 = vector.shape_cast %get3A_456 : vector<1x16xf32> to vector<16xf32>
        %sub3A_458 = arith.subf %get3A_107, %get3A_457 : vector<16xf32>
        %abs3A_459 = math.absf %sub3A_458 : vector<16xf32>
        %add3A_460 = arith.addf %add3A_453, %abs3A_459 : vector<16xf32>
        %get3A_461 = arith.index_cast %add3A_412 : i32 to index
        %get3A_462 = arith.constant 112 : index
        %get3A_463 = tpu.vector_load %arg6[%get3A_461, %get3A_462] {strides = array<i32>} : memref<384x128xf32, #tpu.memory_space<vmem>>, vector<1x16xf32>,
        %get3A_464 = vector.shape_cast %get3A_463 : vector<1x16xf32> to vector<16xf32>
        %sub3A_465 = arith.subf %get3A_111, %get3A_464 : vector<16xf32>
        %abs3A_466 = math.absf %sub3A_465 : vector<16xf32>
        %add3A_467 = arith.addf %add3A_460, %abs3A_466 : vector<16xf32>
        %gather3A_468 = vector.shape_cast %broadcast_in_dim3A : vector<16x1xi32> to vector<16xi32>
        %gather3A_469 = tpu.dynamic_gather %add3A_467[%gather3A_468] in [0] : vector<16xf32>, vector<16xi32> -> vector<16xf32>
        %add3A_470 = arith.addf %add3A_467, %gather3A_469 : vector<16xf32>
        %gather3A_471 = vector.shape_cast %broadcast_in_dim3A_65 : vector<16x1xi32> to vector<16xi32>
        %gather3A_472 = tpu.dynamic_gather %add3A_470[%gather3A_471] in [0] : vector<16xf32>, vector<16xi32> -> vector<16xf32>
        %add3A_473 = arith.addf %add3A_470, %gather3A_472 : vector<16xf32>
        %gather3A_474 = vector.shape_cast %broadcast_in_dim3A_69 : vector<16x1xi32> to vector<16xi32>
        %gather3A_475 = tpu.dynamic_gather %add3A_473[%gather3A_474] in [0] : vector<16xf32>, vector<16xi32> -> vector<16xf32>
        %add3A_476 = arith.addf %add3A_473, %gather3A_475 : vector<16xf32>
        %gather3A_477 = vector.shape_cast %broadcast_in_dim3A_73 : vector<16x1xi32> to vector<16xi32>
        %gather3A_478 = tpu.dynamic_gather %add3A_476[%gather3A_477] in [0] : vector<16xf32>, vector<16xi32> -> vector<16xf32>
        %add3A_479 = arith.addf %add3A_476, %gather3A_478 : vector<16xf32>
        %eq3A_480 = arith.constant 4 : i32
        %eq3A_481 = vector.broadcast %eq3A_480 : i32 to vector<16xi32>
        %eq3A_482 = arith.cmpi eq, %iota3A, %eq3A_481 : vector<16xi32>
        %select_n3A_483 = arith.select %eq3A_482, %add3A_479, %select_n3A_408 : vector<16xi1>, vector<16xf32>
        %mul3A_484 = arith.constant 12 : i32
        %mul3A_485 = arith.muli %scan3A_80, %mul3A_484 : i32
        %add3A_486 = arith.constant 5 : i32
        %add3A_487 = arith.addi %mul3A_485, %add3A_486 : i32
        %get3A_488 = arith.index_cast %add3A_487 : i32 to index
        %get3A_489 = arith.constant 0 : index
        %get3A_490 = tpu.vector_load %arg6[%get3A_488, %get3A_489] {strides = array<i32>} : memref<384x128xf32, #tpu.memory_space<vmem>>, vector<1x16xf32>,
        %get3A_491 = vector.shape_cast %get3A_490 : vector<1x16xf32> to vector<16xf32>
        %sub3A_492 = arith.subf %get3A_83, %get3A_491 : vector<16xf32>
        %abs3A_493 = math.absf %sub3A_492 : vector<16xf32>
        %get3A_494 = arith.index_cast %add3A_487 : i32 to index
        %get3A_495 = arith.constant 16 : index
        %get3A_496 = tpu.vector_load %arg6[%get3A_494, %get3A_495] {strides = array<i32>} : memref<384x128xf32, #tpu.memory_space<vmem>>, vector<1x16xf32>,
        %get3A_497 = vector.shape_cast %get3A_496 : vector<1x16xf32> to vector<16xf32>
        %sub3A_498 = arith.subf %get3A_87, %get3A_497 : vector<16xf32>
        %abs3A_499 = math.absf %sub3A_498 : vector<16xf32>
        %add3A_500 = arith.addf %abs3A_493, %abs3A_499 : vector<16xf32>
        %get3A_501 = arith.index_cast %add3A_487 : i32 to index
        %get3A_502 = arith.constant 32 : index
        %get3A_503 = tpu.vector_load %arg6[%get3A_501, %get3A_502] {strides = array<i32>} : memref<384x128xf32, #tpu.memory_space<vmem>>, vector<1x16xf32>,
        %get3A_504 = vector.shape_cast %get3A_503 : vector<1x16xf32> to vector<16xf32>
        %sub3A_505 = arith.subf %get3A_91, %get3A_504 : vector<16xf32>
        %abs3A_506 = math.absf %sub3A_505 : vector<16xf32>
        %add3A_507 = arith.addf %add3A_500, %abs3A_506 : vector<16xf32>
        %get3A_508 = arith.index_cast %add3A_487 : i32 to index
        %get3A_509 = arith.constant 48 : index
        %get3A_510 = tpu.vector_load %arg6[%get3A_508, %get3A_509] {strides = array<i32>} : memref<384x128xf32, #tpu.memory_space<vmem>>, vector<1x16xf32>,
        %get3A_511 = vector.shape_cast %get3A_510 : vector<1x16xf32> to vector<16xf32>
        %sub3A_512 = arith.subf %get3A_95, %get3A_511 : vector<16xf32>
        %abs3A_513 = math.absf %sub3A_512 : vector<16xf32>
        %add3A_514 = arith.addf %add3A_507, %abs3A_513 : vector<16xf32>
        %get3A_515 = arith.index_cast %add3A_487 : i32 to index
        %get3A_516 = arith.constant 64 : index
        %get3A_517 = tpu.vector_load %arg6[%get3A_515, %get3A_516] {strides = array<i32>} : memref<384x128xf32, #tpu.memory_space<vmem>>, vector<1x16xf32>,
        %get3A_518 = vector.shape_cast %get3A_517 : vector<1x16xf32> to vector<16xf32>
        %sub3A_519 = arith.subf %get3A_99, %get3A_518 : vector<16xf32>
        %abs3A_520 = math.absf %sub3A_519 : vector<16xf32>
        %add3A_521 = arith.addf %add3A_514, %abs3A_520 : vector<16xf32>
        %get3A_522 = arith.index_cast %add3A_487 : i32 to index
        %get3A_523 = arith.constant 80 : index
        %get3A_524 = tpu.vector_load %arg6[%get3A_522, %get3A_523] {strides = array<i32>} : memref<384x128xf32, #tpu.memory_space<vmem>>, vector<1x16xf32>,
        %get3A_525 = vector.shape_cast %get3A_524 : vector<1x16xf32> to vector<16xf32>
        %sub3A_526 = arith.subf %get3A_103, %get3A_525 : vector<16xf32>
        %abs3A_527 = math.absf %sub3A_526 : vector<16xf32>
        %add3A_528 = arith.addf %add3A_521, %abs3A_527 : vector<16xf32>
        %get3A_529 = arith.index_cast %add3A_487 : i32 to index
        %get3A_530 = arith.constant 96 : index
        %get3A_531 = tpu.vector_load %arg6[%get3A_529, %get3A_530] {strides = array<i32>} : memref<384x128xf32, #tpu.memory_space<vmem>>, vector<1x16xf32>,
        %get3A_532 = vector.shape_cast %get3A_531 : vector<1x16xf32> to vector<16xf32>
        %sub3A_533 = arith.subf %get3A_107, %get3A_532 : vector<16xf32>
        %abs3A_534 = math.absf %sub3A_533 : vector<16xf32>
        %add3A_535 = arith.addf %add3A_528, %abs3A_534 : vector<16xf32>
        %get3A_536 = arith.index_cast %add3A_487 : i32 to index
        %get3A_537 = arith.constant 112 : index
        %get3A_538 = tpu.vector_load %arg6[%get3A_536, %get3A_537] {strides = array<i32>} : memref<384x128xf32, #tpu.memory_space<vmem>>, vector<1x16xf32>,
        %get3A_539 = vector.shape_cast %get3A_538 : vector<1x16xf32> to vector<16xf32>
        %sub3A_540 = arith.subf %get3A_111, %get3A_539 : vector<16xf32>
        %abs3A_541 = math.absf %sub3A_540 : vector<16xf32>
        %add3A_542 = arith.addf %add3A_535, %abs3A_541 : vector<16xf32>
        %gather3A_543 = vector.shape_cast %broadcast_in_dim3A : vector<16x1xi32> to vector<16xi32>
        %gather3A_544 = tpu.dynamic_gather %add3A_542[%gather3A_543] in [0] : vector<16xf32>, vector<16xi32> -> vector<16xf32>
        %add3A_545 = arith.addf %add3A_542, %gather3A_544 : vector<16xf32>
        %gather3A_546 = vector.shape_cast %broadcast_in_dim3A_65 : vector<16x1xi32> to vector<16xi32>
        %gather3A_547 = tpu.dynamic_gather %add3A_545[%gather3A_546] in [0] : vector<16xf32>, vector<16xi32> -> vector<16xf32>
        %add3A_548 = arith.addf %add3A_545, %gather3A_547 : vector<16xf32>
        %gather3A_549 = vector.shape_cast %broadcast_in_dim3A_69 : vector<16x1xi32> to vector<16xi32>
        %gather3A_550 = tpu.dynamic_gather %add3A_548[%gather3A_549] in [0] : vector<16xf32>, vector<16xi32> -> vector<16xf32>
        %add3A_551 = arith.addf %add3A_548, %gather3A_550 : vector<16xf32>
        %gather3A_552 = vector.shape_cast %broadcast_in_dim3A_73 : vector<16x1xi32> to vector<16xi32>
        %gather3A_553 = tpu.dynamic_gather %add3A_551[%gather3A_552] in [0] : vector<16xf32>, vector<16xi32> -> vector<16xf32>
        %add3A_554 = arith.addf %add3A_551, %gather3A_553 : vector<16xf32>
        %eq3A_555 = arith.constant 5 : i32
        %eq3A_556 = vector.broadcast %eq3A_555 : i32 to vector<16xi32>
        %eq3A_557 = arith.cmpi eq, %iota3A, %eq3A_556 : vector<16xi32>
        %select_n3A_558 = arith.select %eq3A_557, %add3A_554, %select_n3A_483 : vector<16xi1>, vector<16xf32>
        %mul3A_559 = arith.constant 12 : i32
        %mul3A_560 = arith.muli %scan3A_80, %mul3A_559 : i32
        %add3A_561 = arith.constant 6 : i32
        %add3A_562 = arith.addi %mul3A_560, %add3A_561 : i32
        %get3A_563 = arith.index_cast %add3A_562 : i32 to index
        %get3A_564 = arith.constant 0 : index
        %get3A_565 = tpu.vector_load %arg6[%get3A_563, %get3A_564] {strides = array<i32>} : memref<384x128xf32, #tpu.memory_space<vmem>>, vector<1x16xf32>,
        %get3A_566 = vector.shape_cast %get3A_565 : vector<1x16xf32> to vector<16xf32>
        %sub3A_567 = arith.subf %get3A_83, %get3A_566 : vector<16xf32>
        %abs3A_568 = math.absf %sub3A_567 : vector<16xf32>
        %get3A_569 = arith.index_cast %add3A_562 : i32 to index
        %get3A_570 = arith.constant 16 : index
        %get3A_571 = tpu.vector_load %arg6[%get3A_569, %get3A_570] {strides = array<i32>} : memref<384x128xf32, #tpu.memory_space<vmem>>, vector<1x16xf32>,
        %get3A_572 = vector.shape_cast %get3A_571 : vector<1x16xf32> to vector<16xf32>
        %sub3A_573 = arith.subf %get3A_87, %get3A_572 : vector<16xf32>
        %abs3A_574 = math.absf %sub3A_573 : vector<16xf32>
        %add3A_575 = arith.addf %abs3A_568, %abs3A_574 : vector<16xf32>
        %get3A_576 = arith.index_cast %add3A_562 : i32 to index
        %get3A_577 = arith.constant 32 : index
        %get3A_578 = tpu.vector_load %arg6[%get3A_576, %get3A_577] {strides = array<i32>} : memref<384x128xf32, #tpu.memory_space<vmem>>, vector<1x16xf32>,
        %get3A_579 = vector.shape_cast %get3A_578 : vector<1x16xf32> to vector<16xf32>
        %sub3A_580 = arith.subf %get3A_91, %get3A_579 : vector<16xf32>
        %abs3A_581 = math.absf %sub3A_580 : vector<16xf32>
        %add3A_582 = arith.addf %add3A_575, %abs3A_581 : vector<16xf32>
        %get3A_583 = arith.index_cast %add3A_562 : i32 to index
        %get3A_584 = arith.constant 48 : index
        %get3A_585 = tpu.vector_load %arg6[%get3A_583, %get3A_584] {strides = array<i32>} : memref<384x128xf32, #tpu.memory_space<vmem>>, vector<1x16xf32>,
        %get3A_586 = vector.shape_cast %get3A_585 : vector<1x16xf32> to vector<16xf32>
        %sub3A_587 = arith.subf %get3A_95, %get3A_586 : vector<16xf32>
        %abs3A_588 = math.absf %sub3A_587 : vector<16xf32>
        %add3A_589 = arith.addf %add3A_582, %abs3A_588 : vector<16xf32>
        %get3A_590 = arith.index_cast %add3A_562 : i32 to index
        %get3A_591 = arith.constant 64 : index
        %get3A_592 = tpu.vector_load %arg6[%get3A_590, %get3A_591] {strides = array<i32>} : memref<384x128xf32, #tpu.memory_space<vmem>>, vector<1x16xf32>,
        %get3A_593 = vector.shape_cast %get3A_592 : vector<1x16xf32> to vector<16xf32>
        %sub3A_594 = arith.subf %get3A_99, %get3A_593 : vector<16xf32>
        %abs3A_595 = math.absf %sub3A_594 : vector<16xf32>
        %add3A_596 = arith.addf %add3A_589, %abs3A_595 : vector<16xf32>
        %get3A_597 = arith.index_cast %add3A_562 : i32 to index
        %get3A_598 = arith.constant 80 : index
        %get3A_599 = tpu.vector_load %arg6[%get3A_597, %get3A_598] {strides = array<i32>} : memref<384x128xf32, #tpu.memory_space<vmem>>, vector<1x16xf32>,
        %get3A_600 = vector.shape_cast %get3A_599 : vector<1x16xf32> to vector<16xf32>
        %sub3A_601 = arith.subf %get3A_103, %get3A_600 : vector<16xf32>
        %abs3A_602 = math.absf %sub3A_601 : vector<16xf32>
        %add3A_603 = arith.addf %add3A_596, %abs3A_602 : vector<16xf32>
        %get3A_604 = arith.index_cast %add3A_562 : i32 to index
        %get3A_605 = arith.constant 96 : index
        %get3A_606 = tpu.vector_load %arg6[%get3A_604, %get3A_605] {strides = array<i32>} : memref<384x128xf32, #tpu.memory_space<vmem>>, vector<1x16xf32>,
        %get3A_607 = vector.shape_cast %get3A_606 : vector<1x16xf32> to vector<16xf32>
        %sub3A_608 = arith.subf %get3A_107, %get3A_607 : vector<16xf32>
        %abs3A_609 = math.absf %sub3A_608 : vector<16xf32>
        %add3A_610 = arith.addf %add3A_603, %abs3A_609 : vector<16xf32>
        %get3A_611 = arith.index_cast %add3A_562 : i32 to index
        %get3A_612 = arith.constant 112 : index
        %get3A_613 = tpu.vector_load %arg6[%get3A_611, %get3A_612] {strides = array<i32>} : memref<384x128xf32, #tpu.memory_space<vmem>>, vector<1x16xf32>,
        %get3A_614 = vector.shape_cast %get3A_613 : vector<1x16xf32> to vector<16xf32>
        %sub3A_615 = arith.subf %get3A_111, %get3A_614 : vector<16xf32>
        %abs3A_616 = math.absf %sub3A_615 : vector<16xf32>
        %add3A_617 = arith.addf %add3A_610, %abs3A_616 : vector<16xf32>
        %gather3A_618 = vector.shape_cast %broadcast_in_dim3A : vector<16x1xi32> to vector<16xi32>
        %gather3A_619 = tpu.dynamic_gather %add3A_617[%gather3A_618] in [0] : vector<16xf32>, vector<16xi32> -> vector<16xf32>
        %add3A_620 = arith.addf %add3A_617, %gather3A_619 : vector<16xf32>
        %gather3A_621 = vector.shape_cast %broadcast_in_dim3A_65 : vector<16x1xi32> to vector<16xi32>
        %gather3A_622 = tpu.dynamic_gather %add3A_620[%gather3A_621] in [0] : vector<16xf32>, vector<16xi32> -> vector<16xf32>
        %add3A_623 = arith.addf %add3A_620, %gather3A_622 : vector<16xf32>
        %gather3A_624 = vector.shape_cast %broadcast_in_dim3A_69 : vector<16x1xi32> to vector<16xi32>
        %gather3A_625 = tpu.dynamic_gather %add3A_623[%gather3A_624] in [0] : vector<16xf32>, vector<16xi32> -> vector<16xf32>
        %add3A_626 = arith.addf %add3A_623, %gather3A_625 : vector<16xf32>
        %gather3A_627 = vector.shape_cast %broadcast_in_dim3A_73 : vector<16x1xi32> to vector<16xi32>
        %gather3A_628 = tpu.dynamic_gather %add3A_626[%gather3A_627] in [0] : vector<16xf32>, vector<16xi32> -> vector<16xf32>
        %add3A_629 = arith.addf %add3A_626, %gather3A_628 : vector<16xf32>
        %eq3A_630 = arith.constant 6 : i32
        %eq3A_631 = vector.broadcast %eq3A_630 : i32 to vector<16xi32>
        %eq3A_632 = arith.cmpi eq, %iota3A, %eq3A_631 : vector<16xi32>
        %select_n3A_633 = arith.select %eq3A_632, %add3A_629, %select_n3A_558 : vector<16xi1>, vector<16xf32>
        %mul3A_634 = arith.constant 12 : i32
        %mul3A_635 = arith.muli %scan3A_80, %mul3A_634 : i32
        %add3A_636 = arith.constant 7 : i32
        %add3A_637 = arith.addi %mul3A_635, %add3A_636 : i32
        %get3A_638 = arith.index_cast %add3A_637 : i32 to index
        %get3A_639 = arith.constant 0 : index
        %get3A_640 = tpu.vector_load %arg6[%get3A_638, %get3A_639] {strides = array<i32>} : memref<384x128xf32, #tpu.memory_space<vmem>>, vector<1x16xf32>,
        %get3A_641 = vector.shape_cast %get3A_640 : vector<1x16xf32> to vector<16xf32>
        %sub3A_642 = arith.subf %get3A_83, %get3A_641 : vector<16xf32>
        %abs3A_643 = math.absf %sub3A_642 : vector<16xf32>
        %get3A_644 = arith.index_cast %add3A_637 : i32 to index
        %get3A_645 = arith.constant 16 : index
        %get3A_646 = tpu.vector_load %arg6[%get3A_644, %get3A_645] {strides = array<i32>} : memref<384x128xf32, #tpu.memory_space<vmem>>, vector<1x16xf32>,
        %get3A_647 = vector.shape_cast %get3A_646 : vector<1x16xf32> to vector<16xf32>
        %sub3A_648 = arith.subf %get3A_87, %get3A_647 : vector<16xf32>
        %abs3A_649 = math.absf %sub3A_648 : vector<16xf32>
        %add3A_650 = arith.addf %abs3A_643, %abs3A_649 : vector<16xf32>
        %get3A_651 = arith.index_cast %add3A_637 : i32 to index
        %get3A_652 = arith.constant 32 : index
        %get3A_653 = tpu.vector_load %arg6[%get3A_651, %get3A_652] {strides = array<i32>} : memref<384x128xf32, #tpu.memory_space<vmem>>, vector<1x16xf32>,
        %get3A_654 = vector.shape_cast %get3A_653 : vector<1x16xf32> to vector<16xf32>
        %sub3A_655 = arith.subf %get3A_91, %get3A_654 : vector<16xf32>
        %abs3A_656 = math.absf %sub3A_655 : vector<16xf32>
        %add3A_657 = arith.addf %add3A_650, %abs3A_656 : vector<16xf32>
        %get3A_658 = arith.index_cast %add3A_637 : i32 to index
        %get3A_659 = arith.constant 48 : index
        %get3A_660 = tpu.vector_load %arg6[%get3A_658, %get3A_659] {strides = array<i32>} : memref<384x128xf32, #tpu.memory_space<vmem>>, vector<1x16xf32>,
        %get3A_661 = vector.shape_cast %get3A_660 : vector<1x16xf32> to vector<16xf32>
        %sub3A_662 = arith.subf %get3A_95, %get3A_661 : vector<16xf32>
        %abs3A_663 = math.absf %sub3A_662 : vector<16xf32>
        %add3A_664 = arith.addf %add3A_657, %abs3A_663 : vector<16xf32>
        %get3A_665 = arith.index_cast %add3A_637 : i32 to index
        %get3A_666 = arith.constant 64 : index
        %get3A_667 = tpu.vector_load %arg6[%get3A_665, %get3A_666] {strides = array<i32>} : memref<384x128xf32, #tpu.memory_space<vmem>>, vector<1x16xf32>,
        %get3A_668 = vector.shape_cast %get3A_667 : vector<1x16xf32> to vector<16xf32>
        %sub3A_669 = arith.subf %get3A_99, %get3A_668 : vector<16xf32>
        %abs3A_670 = math.absf %sub3A_669 : vector<16xf32>
        %add3A_671 = arith.addf %add3A_664, %abs3A_670 : vector<16xf32>
        %get3A_672 = arith.index_cast %add3A_637 : i32 to index
        %get3A_673 = arith.constant 80 : index
        %get3A_674 = tpu.vector_load %arg6[%get3A_672, %get3A_673] {strides = array<i32>} : memref<384x128xf32, #tpu.memory_space<vmem>>, vector<1x16xf32>,
        %get3A_675 = vector.shape_cast %get3A_674 : vector<1x16xf32> to vector<16xf32>
        %sub3A_676 = arith.subf %get3A_103, %get3A_675 : vector<16xf32>
        %abs3A_677 = math.absf %sub3A_676 : vector<16xf32>
        %add3A_678 = arith.addf %add3A_671, %abs3A_677 : vector<16xf32>
        %get3A_679 = arith.index_cast %add3A_637 : i32 to index
        %get3A_680 = arith.constant 96 : index
        %get3A_681 = tpu.vector_load %arg6[%get3A_679, %get3A_680] {strides = array<i32>} : memref<384x128xf32, #tpu.memory_space<vmem>>, vector<1x16xf32>,
        %get3A_682 = vector.shape_cast %get3A_681 : vector<1x16xf32> to vector<16xf32>
        %sub3A_683 = arith.subf %get3A_107, %get3A_682 : vector<16xf32>
        %abs3A_684 = math.absf %sub3A_683 : vector<16xf32>
        %add3A_685 = arith.addf %add3A_678, %abs3A_684 : vector<16xf32>
        %get3A_686 = arith.index_cast %add3A_637 : i32 to index
        %get3A_687 = arith.constant 112 : index
        %get3A_688 = tpu.vector_load %arg6[%get3A_686, %get3A_687] {strides = array<i32>} : memref<384x128xf32, #tpu.memory_space<vmem>>, vector<1x16xf32>,
        %get3A_689 = vector.shape_cast %get3A_688 : vector<1x16xf32> to vector<16xf32>
        %sub3A_690 = arith.subf %get3A_111, %get3A_689 : vector<16xf32>
        %abs3A_691 = math.absf %sub3A_690 : vector<16xf32>
        %add3A_692 = arith.addf %add3A_685, %abs3A_691 : vector<16xf32>
        %gather3A_693 = vector.shape_cast %broadcast_in_dim3A : vector<16x1xi32> to vector<16xi32>
        %gather3A_694 = tpu.dynamic_gather %add3A_692[%gather3A_693] in [0] : vector<16xf32>, vector<16xi32> -> vector<16xf32>
        %add3A_695 = arith.addf %add3A_692, %gather3A_694 : vector<16xf32>
        %gather3A_696 = vector.shape_cast %broadcast_in_dim3A_65 : vector<16x1xi32> to vector<16xi32>
        %gather3A_697 = tpu.dynamic_gather %add3A_695[%gather3A_696] in [0] : vector<16xf32>, vector<16xi32> -> vector<16xf32>
        %add3A_698 = arith.addf %add3A_695, %gather3A_697 : vector<16xf32>
        %gather3A_699 = vector.shape_cast %broadcast_in_dim3A_69 : vector<16x1xi32> to vector<16xi32>
        %gather3A_700 = tpu.dynamic_gather %add3A_698[%gather3A_699] in [0] : vector<16xf32>, vector<16xi32> -> vector<16xf32>
        %add3A_701 = arith.addf %add3A_698, %gather3A_700 : vector<16xf32>
        %gather3A_702 = vector.shape_cast %broadcast_in_dim3A_73 : vector<16x1xi32> to vector<16xi32>
        %gather3A_703 = tpu.dynamic_gather %add3A_701[%gather3A_702] in [0] : vector<16xf32>, vector<16xi32> -> vector<16xf32>
        %add3A_704 = arith.addf %add3A_701, %gather3A_703 : vector<16xf32>
        %eq3A_705 = arith.constant 7 : i32
        %eq3A_706 = vector.broadcast %eq3A_705 : i32 to vector<16xi32>
        %eq3A_707 = arith.cmpi eq, %iota3A, %eq3A_706 : vector<16xi32>
        %select_n3A_708 = arith.select %eq3A_707, %add3A_704, %select_n3A_633 : vector<16xi1>, vector<16xf32>
        %mul3A_709 = arith.constant 12 : i32
        %mul3A_710 = arith.muli %scan3A_80, %mul3A_709 : i32
        %add3A_711 = arith.constant 8 : i32
        %add3A_712 = arith.addi %mul3A_710, %add3A_711 : i32
        %get3A_713 = arith.index_cast %add3A_712 : i32 to index
        %get3A_714 = arith.constant 0 : index
        %get3A_715 = tpu.vector_load %arg6[%get3A_713, %get3A_714] {strides = array<i32>} : memref<384x128xf32, #tpu.memory_space<vmem>>, vector<1x16xf32>,
        %get3A_716 = vector.shape_cast %get3A_715 : vector<1x16xf32> to vector<16xf32>
        %sub3A_717 = arith.subf %get3A_83, %get3A_716 : vector<16xf32>
        %abs3A_718 = math.absf %sub3A_717 : vector<16xf32>
        %get3A_719 = arith.index_cast %add3A_712 : i32 to index
        %get3A_720 = arith.constant 16 : index
        %get3A_721 = tpu.vector_load %arg6[%get3A_719, %get3A_720] {strides = array<i32>} : memref<384x128xf32, #tpu.memory_space<vmem>>, vector<1x16xf32>,
        %get3A_722 = vector.shape_cast %get3A_721 : vector<1x16xf32> to vector<16xf32>
        %sub3A_723 = arith.subf %get3A_87, %get3A_722 : vector<16xf32>
        %abs3A_724 = math.absf %sub3A_723 : vector<16xf32>
        %add3A_725 = arith.addf %abs3A_718, %abs3A_724 : vector<16xf32>
        %get3A_726 = arith.index_cast %add3A_712 : i32 to index
        %get3A_727 = arith.constant 32 : index
        %get3A_728 = tpu.vector_load %arg6[%get3A_726, %get3A_727] {strides = array<i32>} : memref<384x128xf32, #tpu.memory_space<vmem>>, vector<1x16xf32>,
        %get3A_729 = vector.shape_cast %get3A_728 : vector<1x16xf32> to vector<16xf32>
        %sub3A_730 = arith.subf %get3A_91, %get3A_729 : vector<16xf32>
        %abs3A_731 = math.absf %sub3A_730 : vector<16xf32>
        %add3A_732 = arith.addf %add3A_725, %abs3A_731 : vector<16xf32>
        %get3A_733 = arith.index_cast %add3A_712 : i32 to index
        %get3A_734 = arith.constant 48 : index
        %get3A_735 = tpu.vector_load %arg6[%get3A_733, %get3A_734] {strides = array<i32>} : memref<384x128xf32, #tpu.memory_space<vmem>>, vector<1x16xf32>,
        %get3A_736 = vector.shape_cast %get3A_735 : vector<1x16xf32> to vector<16xf32>
        %sub3A_737 = arith.subf %get3A_95, %get3A_736 : vector<16xf32>
        %abs3A_738 = math.absf %sub3A_737 : vector<16xf32>
        %add3A_739 = arith.addf %add3A_732, %abs3A_738 : vector<16xf32>
        %get3A_740 = arith.index_cast %add3A_712 : i32 to index
        %get3A_741 = arith.constant 64 : index
        %get3A_742 = tpu.vector_load %arg6[%get3A_740, %get3A_741] {strides = array<i32>} : memref<384x128xf32, #tpu.memory_space<vmem>>, vector<1x16xf32>,
        %get3A_743 = vector.shape_cast %get3A_742 : vector<1x16xf32> to vector<16xf32>
        %sub3A_744 = arith.subf %get3A_99, %get3A_743 : vector<16xf32>
        %abs3A_745 = math.absf %sub3A_744 : vector<16xf32>
        %add3A_746 = arith.addf %add3A_739, %abs3A_745 : vector<16xf32>
        %get3A_747 = arith.index_cast %add3A_712 : i32 to index
        %get3A_748 = arith.constant 80 : index
        %get3A_749 = tpu.vector_load %arg6[%get3A_747, %get3A_748] {strides = array<i32>} : memref<384x128xf32, #tpu.memory_space<vmem>>, vector<1x16xf32>,
        %get3A_750 = vector.shape_cast %get3A_749 : vector<1x16xf32> to vector<16xf32>
        %sub3A_751 = arith.subf %get3A_103, %get3A_750 : vector<16xf32>
        %abs3A_752 = math.absf %sub3A_751 : vector<16xf32>
        %add3A_753 = arith.addf %add3A_746, %abs3A_752 : vector<16xf32>
        %get3A_754 = arith.index_cast %add3A_712 : i32 to index
        %get3A_755 = arith.constant 96 : index
        %get3A_756 = tpu.vector_load %arg6[%get3A_754, %get3A_755] {strides = array<i32>} : memref<384x128xf32, #tpu.memory_space<vmem>>, vector<1x16xf32>,
        %get3A_757 = vector.shape_cast %get3A_756 : vector<1x16xf32> to vector<16xf32>
        %sub3A_758 = arith.subf %get3A_107, %get3A_757 : vector<16xf32>
        %abs3A_759 = math.absf %sub3A_758 : vector<16xf32>
        %add3A_760 = arith.addf %add3A_753, %abs3A_759 : vector<16xf32>
        %get3A_761 = arith.index_cast %add3A_712 : i32 to index
        %get3A_762 = arith.constant 112 : index
        %get3A_763 = tpu.vector_load %arg6[%get3A_761, %get3A_762] {strides = array<i32>} : memref<384x128xf32, #tpu.memory_space<vmem>>, vector<1x16xf32>,
        %get3A_764 = vector.shape_cast %get3A_763 : vector<1x16xf32> to vector<16xf32>
        %sub3A_765 = arith.subf %get3A_111, %get3A_764 : vector<16xf32>
        %abs3A_766 = math.absf %sub3A_765 : vector<16xf32>
        %add3A_767 = arith.addf %add3A_760, %abs3A_766 : vector<16xf32>
        %gather3A_768 = vector.shape_cast %broadcast_in_dim3A : vector<16x1xi32> to vector<16xi32>
        %gather3A_769 = tpu.dynamic_gather %add3A_767[%gather3A_768] in [0] : vector<16xf32>, vector<16xi32> -> vector<16xf32>
        %add3A_770 = arith.addf %add3A_767, %gather3A_769 : vector<16xf32>
        %gather3A_771 = vector.shape_cast %broadcast_in_dim3A_65 : vector<16x1xi32> to vector<16xi32>
        %gather3A_772 = tpu.dynamic_gather %add3A_770[%gather3A_771] in [0] : vector<16xf32>, vector<16xi32> -> vector<16xf32>
        %add3A_773 = arith.addf %add3A_770, %gather3A_772 : vector<16xf32>
        %gather3A_774 = vector.shape_cast %broadcast_in_dim3A_69 : vector<16x1xi32> to vector<16xi32>
        %gather3A_775 = tpu.dynamic_gather %add3A_773[%gather3A_774] in [0] : vector<16xf32>, vector<16xi32> -> vector<16xf32>
        %add3A_776 = arith.addf %add3A_773, %gather3A_775 : vector<16xf32>
        %gather3A_777 = vector.shape_cast %broadcast_in_dim3A_73 : vector<16x1xi32> to vector<16xi32>
        %gather3A_778 = tpu.dynamic_gather %add3A_776[%gather3A_777] in [0] : vector<16xf32>, vector<16xi32> -> vector<16xf32>
        %add3A_779 = arith.addf %add3A_776, %gather3A_778 : vector<16xf32>
        %eq3A_780 = arith.constant 8 : i32
        %eq3A_781 = vector.broadcast %eq3A_780 : i32 to vector<16xi32>
        %eq3A_782 = arith.cmpi eq, %iota3A, %eq3A_781 : vector<16xi32>
        %select_n3A_783 = arith.select %eq3A_782, %add3A_779, %select_n3A_708 : vector<16xi1>, vector<16xf32>
        %mul3A_784 = arith.constant 12 : i32
        %mul3A_785 = arith.muli %scan3A_80, %mul3A_784 : i32
        %add3A_786 = arith.constant 9 : i32
        %add3A_787 = arith.addi %mul3A_785, %add3A_786 : i32
        %get3A_788 = arith.index_cast %add3A_787 : i32 to index
        %get3A_789 = arith.constant 0 : index
        %get3A_790 = tpu.vector_load %arg6[%get3A_788, %get3A_789] {strides = array<i32>} : memref<384x128xf32, #tpu.memory_space<vmem>>, vector<1x16xf32>,
        %get3A_791 = vector.shape_cast %get3A_790 : vector<1x16xf32> to vector<16xf32>
        %sub3A_792 = arith.subf %get3A_83, %get3A_791 : vector<16xf32>
        %abs3A_793 = math.absf %sub3A_792 : vector<16xf32>
        %get3A_794 = arith.index_cast %add3A_787 : i32 to index
        %get3A_795 = arith.constant 16 : index
        %get3A_796 = tpu.vector_load %arg6[%get3A_794, %get3A_795] {strides = array<i32>} : memref<384x128xf32, #tpu.memory_space<vmem>>, vector<1x16xf32>,
        %get3A_797 = vector.shape_cast %get3A_796 : vector<1x16xf32> to vector<16xf32>
        %sub3A_798 = arith.subf %get3A_87, %get3A_797 : vector<16xf32>
        %abs3A_799 = math.absf %sub3A_798 : vector<16xf32>
        %add3A_800 = arith.addf %abs3A_793, %abs3A_799 : vector<16xf32>
        %get3A_801 = arith.index_cast %add3A_787 : i32 to index
        %get3A_802 = arith.constant 32 : index
        %get3A_803 = tpu.vector_load %arg6[%get3A_801, %get3A_802] {strides = array<i32>} : memref<384x128xf32, #tpu.memory_space<vmem>>, vector<1x16xf32>,
        %get3A_804 = vector.shape_cast %get3A_803 : vector<1x16xf32> to vector<16xf32>
        %sub3A_805 = arith.subf %get3A_91, %get3A_804 : vector<16xf32>
        %abs3A_806 = math.absf %sub3A_805 : vector<16xf32>
        %add3A_807 = arith.addf %add3A_800, %abs3A_806 : vector<16xf32>
        %get3A_808 = arith.index_cast %add3A_787 : i32 to index
        %get3A_809 = arith.constant 48 : index
        %get3A_810 = tpu.vector_load %arg6[%get3A_808, %get3A_809] {strides = array<i32>} : memref<384x128xf32, #tpu.memory_space<vmem>>, vector<1x16xf32>,
        %get3A_811 = vector.shape_cast %get3A_810 : vector<1x16xf32> to vector<16xf32>
        %sub3A_812 = arith.subf %get3A_95, %get3A_811 : vector<16xf32>
        %abs3A_813 = math.absf %sub3A_812 : vector<16xf32>
        %add3A_814 = arith.addf %add3A_807, %abs3A_813 : vector<16xf32>
        %get3A_815 = arith.index_cast %add3A_787 : i32 to index
        %get3A_816 = arith.constant 64 : index
        %get3A_817 = tpu.vector_load %arg6[%get3A_815, %get3A_816] {strides = array<i32>} : memref<384x128xf32, #tpu.memory_space<vmem>>, vector<1x16xf32>,
        %get3A_818 = vector.shape_cast %get3A_817 : vector<1x16xf32> to vector<16xf32>
        %sub3A_819 = arith.subf %get3A_99, %get3A_818 : vector<16xf32>
        %abs3A_820 = math.absf %sub3A_819 : vector<16xf32>
        %add3A_821 = arith.addf %add3A_814, %abs3A_820 : vector<16xf32>
        %get3A_822 = arith.index_cast %add3A_787 : i32 to index
        %get3A_823 = arith.constant 80 : index
        %get3A_824 = tpu.vector_load %arg6[%get3A_822, %get3A_823] {strides = array<i32>} : memref<384x128xf32, #tpu.memory_space<vmem>>, vector<1x16xf32>,
        %get3A_825 = vector.shape_cast %get3A_824 : vector<1x16xf32> to vector<16xf32>
        %sub3A_826 = arith.subf %get3A_103, %get3A_825 : vector<16xf32>
        %abs3A_827 = math.absf %sub3A_826 : vector<16xf32>
        %add3A_828 = arith.addf %add3A_821, %abs3A_827 : vector<16xf32>
        %get3A_829 = arith.index_cast %add3A_787 : i32 to index
        %get3A_830 = arith.constant 96 : index
        %get3A_831 = tpu.vector_load %arg6[%get3A_829, %get3A_830] {strides = array<i32>} : memref<384x128xf32, #tpu.memory_space<vmem>>, vector<1x16xf32>,
        %get3A_832 = vector.shape_cast %get3A_831 : vector<1x16xf32> to vector<16xf32>
        %sub3A_833 = arith.subf %get3A_107, %get3A_832 : vector<16xf32>
        %abs3A_834 = math.absf %sub3A_833 : vector<16xf32>
        %add3A_835 = arith.addf %add3A_828, %abs3A_834 : vector<16xf32>
        %get3A_836 = arith.index_cast %add3A_787 : i32 to index
        %get3A_837 = arith.constant 112 : index
        %get3A_838 = tpu.vector_load %arg6[%get3A_836, %get3A_837] {strides = array<i32>} : memref<384x128xf32, #tpu.memory_space<vmem>>, vector<1x16xf32>,
        %get3A_839 = vector.shape_cast %get3A_838 : vector<1x16xf32> to vector<16xf32>
        %sub3A_840 = arith.subf %get3A_111, %get3A_839 : vector<16xf32>
        %abs3A_841 = math.absf %sub3A_840 : vector<16xf32>
        %add3A_842 = arith.addf %add3A_835, %abs3A_841 : vector<16xf32>
        %gather3A_843 = vector.shape_cast %broadcast_in_dim3A : vector<16x1xi32> to vector<16xi32>
        %gather3A_844 = tpu.dynamic_gather %add3A_842[%gather3A_843] in [0] : vector<16xf32>, vector<16xi32> -> vector<16xf32>
        %add3A_845 = arith.addf %add3A_842, %gather3A_844 : vector<16xf32>
        %gather3A_846 = vector.shape_cast %broadcast_in_dim3A_65 : vector<16x1xi32> to vector<16xi32>
        %gather3A_847 = tpu.dynamic_gather %add3A_845[%gather3A_846] in [0] : vector<16xf32>, vector<16xi32> -> vector<16xf32>
        %add3A_848 = arith.addf %add3A_845, %gather3A_847 : vector<16xf32>
        %gather3A_849 = vector.shape_cast %broadcast_in_dim3A_69 : vector<16x1xi32> to vector<16xi32>
        %gather3A_850 = tpu.dynamic_gather %add3A_848[%gather3A_849] in [0] : vector<16xf32>, vector<16xi32> -> vector<16xf32>
        %add3A_851 = arith.addf %add3A_848, %gather3A_850 : vector<16xf32>
        %gather3A_852 = vector.shape_cast %broadcast_in_dim3A_73 : vector<16x1xi32> to vector<16xi32>
        %gather3A_853 = tpu.dynamic_gather %add3A_851[%gather3A_852] in [0] : vector<16xf32>, vector<16xi32> -> vector<16xf32>
        %add3A_854 = arith.addf %add3A_851, %gather3A_853 : vector<16xf32>
        %eq3A_855 = arith.constant 9 : i32
        %eq3A_856 = vector.broadcast %eq3A_855 : i32 to vector<16xi32>
        %eq3A_857 = arith.cmpi eq, %iota3A, %eq3A_856 : vector<16xi32>
        %select_n3A_858 = arith.select %eq3A_857, %add3A_854, %select_n3A_783 : vector<16xi1>, vector<16xf32>
        %mul3A_859 = arith.constant 12 : i32
        %mul3A_860 = arith.muli %scan3A_80, %mul3A_859 : i32
        %add3A_861 = arith.constant 10 : i32
        %add3A_862 = arith.addi %mul3A_860, %add3A_861 : i32
        %get3A_863 = arith.index_cast %add3A_862 : i32 to index
        %get3A_864 = arith.constant 0 : index
        %get3A_865 = tpu.vector_load %arg6[%get3A_863, %get3A_864] {strides = array<i32>} : memref<384x128xf32, #tpu.memory_space<vmem>>, vector<1x16xf32>,
        %get3A_866 = vector.shape_cast %get3A_865 : vector<1x16xf32> to vector<16xf32>
        %sub3A_867 = arith.subf %get3A_83, %get3A_866 : vector<16xf32>
        %abs3A_868 = math.absf %sub3A_867 : vector<16xf32>
        %get3A_869 = arith.index_cast %add3A_862 : i32 to index
        %get3A_870 = arith.constant 16 : index
        %get3A_871 = tpu.vector_load %arg6[%get3A_869, %get3A_870] {strides = array<i32>} : memref<384x128xf32, #tpu.memory_space<vmem>>, vector<1x16xf32>,
        %get3A_872 = vector.shape_cast %get3A_871 : vector<1x16xf32> to vector<16xf32>
        %sub3A_873 = arith.subf %get3A_87, %get3A_872 : vector<16xf32>
        %abs3A_874 = math.absf %sub3A_873 : vector<16xf32>
        %add3A_875 = arith.addf %abs3A_868, %abs3A_874 : vector<16xf32>
        %get3A_876 = arith.index_cast %add3A_862 : i32 to index
        %get3A_877 = arith.constant 32 : index
        %get3A_878 = tpu.vector_load %arg6[%get3A_876, %get3A_877] {strides = array<i32>} : memref<384x128xf32, #tpu.memory_space<vmem>>, vector<1x16xf32>,
        %get3A_879 = vector.shape_cast %get3A_878 : vector<1x16xf32> to vector<16xf32>
        %sub3A_880 = arith.subf %get3A_91, %get3A_879 : vector<16xf32>
        %abs3A_881 = math.absf %sub3A_880 : vector<16xf32>
        %add3A_882 = arith.addf %add3A_875, %abs3A_881 : vector<16xf32>
        %get3A_883 = arith.index_cast %add3A_862 : i32 to index
        %get3A_884 = arith.constant 48 : index
        %get3A_885 = tpu.vector_load %arg6[%get3A_883, %get3A_884] {strides = array<i32>} : memref<384x128xf32, #tpu.memory_space<vmem>>, vector<1x16xf32>,
        %get3A_886 = vector.shape_cast %get3A_885 : vector<1x16xf32> to vector<16xf32>
        %sub3A_887 = arith.subf %get3A_95, %get3A_886 : vector<16xf32>
        %abs3A_888 = math.absf %sub3A_887 : vector<16xf32>
        %add3A_889 = arith.addf %add3A_882, %abs3A_888 : vector<16xf32>
        %get3A_890 = arith.index_cast %add3A_862 : i32 to index
        %get3A_891 = arith.constant 64 : index
        %get3A_892 = tpu.vector_load %arg6[%get3A_890, %get3A_891] {strides = array<i32>} : memref<384x128xf32, #tpu.memory_space<vmem>>, vector<1x16xf32>,
        %get3A_893 = vector.shape_cast %get3A_892 : vector<1x16xf32> to vector<16xf32>
        %sub3A_894 = arith.subf %get3A_99, %get3A_893 : vector<16xf32>
        %abs3A_895 = math.absf %sub3A_894 : vector<16xf32>
        %add3A_896 = arith.addf %add3A_889, %abs3A_895 : vector<16xf32>
        %get3A_897 = arith.index_cast %add3A_862 : i32 to index
        %get3A_898 = arith.constant 80 : index
        %get3A_899 = tpu.vector_load %arg6[%get3A_897, %get3A_898] {strides = array<i32>} : memref<384x128xf32, #tpu.memory_space<vmem>>, vector<1x16xf32>,
        %get3A_900 = vector.shape_cast %get3A_899 : vector<1x16xf32> to vector<16xf32>
        %sub3A_901 = arith.subf %get3A_103, %get3A_900 : vector<16xf32>
        %abs3A_902 = math.absf %sub3A_901 : vector<16xf32>
        %add3A_903 = arith.addf %add3A_896, %abs3A_902 : vector<16xf32>
        %get3A_904 = arith.index_cast %add3A_862 : i32 to index
        %get3A_905 = arith.constant 96 : index
        %get3A_906 = tpu.vector_load %arg6[%get3A_904, %get3A_905] {strides = array<i32>} : memref<384x128xf32, #tpu.memory_space<vmem>>, vector<1x16xf32>,
        %get3A_907 = vector.shape_cast %get3A_906 : vector<1x16xf32> to vector<16xf32>
        %sub3A_908 = arith.subf %get3A_107, %get3A_907 : vector<16xf32>
        %abs3A_909 = math.absf %sub3A_908 : vector<16xf32>
        %add3A_910 = arith.addf %add3A_903, %abs3A_909 : vector<16xf32>
        %get3A_911 = arith.index_cast %add3A_862 : i32 to index
        %get3A_912 = arith.constant 112 : index
        %get3A_913 = tpu.vector_load %arg6[%get3A_911, %get3A_912] {strides = array<i32>} : memref<384x128xf32, #tpu.memory_space<vmem>>, vector<1x16xf32>,
        %get3A_914 = vector.shape_cast %get3A_913 : vector<1x16xf32> to vector<16xf32>
        %sub3A_915 = arith.subf %get3A_111, %get3A_914 : vector<16xf32>
        %abs3A_916 = math.absf %sub3A_915 : vector<16xf32>
        %add3A_917 = arith.addf %add3A_910, %abs3A_916 : vector<16xf32>
        %gather3A_918 = vector.shape_cast %broadcast_in_dim3A : vector<16x1xi32> to vector<16xi32>
        %gather3A_919 = tpu.dynamic_gather %add3A_917[%gather3A_918] in [0] : vector<16xf32>, vector<16xi32> -> vector<16xf32>
        %add3A_920 = arith.addf %add3A_917, %gather3A_919 : vector<16xf32>
        %gather3A_921 = vector.shape_cast %broadcast_in_dim3A_65 : vector<16x1xi32> to vector<16xi32>
        %gather3A_922 = tpu.dynamic_gather %add3A_920[%gather3A_921] in [0] : vector<16xf32>, vector<16xi32> -> vector<16xf32>
        %add3A_923 = arith.addf %add3A_920, %gather3A_922 : vector<16xf32>
        %gather3A_924 = vector.shape_cast %broadcast_in_dim3A_69 : vector<16x1xi32> to vector<16xi32>
        %gather3A_925 = tpu.dynamic_gather %add3A_923[%gather3A_924] in [0] : vector<16xf32>, vector<16xi32> -> vector<16xf32>
        %add3A_926 = arith.addf %add3A_923, %gather3A_925 : vector<16xf32>
        %gather3A_927 = vector.shape_cast %broadcast_in_dim3A_73 : vector<16x1xi32> to vector<16xi32>
        %gather3A_928 = tpu.dynamic_gather %add3A_926[%gather3A_927] in [0] : vector<16xf32>, vector<16xi32> -> vector<16xf32>
        %add3A_929 = arith.addf %add3A_926, %gather3A_928 : vector<16xf32>
        %eq3A_930 = arith.constant 10 : i32
        %eq3A_931 = vector.broadcast %eq3A_930 : i32 to vector<16xi32>
        %eq3A_932 = arith.cmpi eq, %iota3A, %eq3A_931 : vector<16xi32>
        %select_n3A_933 = arith.select %eq3A_932, %add3A_929, %select_n3A_858 : vector<16xi1>, vector<16xf32>
        %mul3A_934 = arith.constant 12 : i32
        %mul3A_935 = arith.muli %scan3A_80, %mul3A_934 : i32
        %add3A_936 = arith.constant 11 : i32
        %add3A_937 = arith.addi %mul3A_935, %add3A_936 : i32
        %get3A_938 = arith.index_cast %add3A_937 : i32 to index
        %get3A_939 = arith.constant 0 : index
        %get3A_940 = tpu.vector_load %arg6[%get3A_938, %get3A_939] {strides = array<i32>} : memref<384x128xf32, #tpu.memory_space<vmem>>, vector<1x16xf32>,
        %get3A_941 = vector.shape_cast %get3A_940 : vector<1x16xf32> to vector<16xf32>
        %sub3A_942 = arith.subf %get3A_83, %get3A_941 : vector<16xf32>
        %abs3A_943 = math.absf %sub3A_942 : vector<16xf32>
        %get3A_944 = arith.index_cast %add3A_937 : i32 to index
        %get3A_945 = arith.constant 16 : index
        %get3A_946 = tpu.vector_load %arg6[%get3A_944, %get3A_945] {strides = array<i32>} : memref<384x128xf32, #tpu.memory_space<vmem>>, vector<1x16xf32>,
        %get3A_947 = vector.shape_cast %get3A_946 : vector<1x16xf32> to vector<16xf32>
        %sub3A_948 = arith.subf %get3A_87, %get3A_947 : vector<16xf32>
        %abs3A_949 = math.absf %sub3A_948 : vector<16xf32>
        %add3A_950 = arith.addf %abs3A_943, %abs3A_949 : vector<16xf32>
        %get3A_951 = arith.index_cast %add3A_937 : i32 to index
        %get3A_952 = arith.constant 32 : index
        %get3A_953 = tpu.vector_load %arg6[%get3A_951, %get3A_952] {strides = array<i32>} : memref<384x128xf32, #tpu.memory_space<vmem>>, vector<1x16xf32>,
        %get3A_954 = vector.shape_cast %get3A_953 : vector<1x16xf32> to vector<16xf32>
        %sub3A_955 = arith.subf %get3A_91, %get3A_954 : vector<16xf32>
        %abs3A_956 = math.absf %sub3A_955 : vector<16xf32>
        %add3A_957 = arith.addf %add3A_950, %abs3A_956 : vector<16xf32>
        %get3A_958 = arith.index_cast %add3A_937 : i32 to index
        %get3A_959 = arith.constant 48 : index
        %get3A_960 = tpu.vector_load %arg6[%get3A_958, %get3A_959] {strides = array<i32>} : memref<384x128xf32, #tpu.memory_space<vmem>>, vector<1x16xf32>,
        %get3A_961 = vector.shape_cast %get3A_960 : vector<1x16xf32> to vector<16xf32>
        %sub3A_962 = arith.subf %get3A_95, %get3A_961 : vector<16xf32>
        %abs3A_963 = math.absf %sub3A_962 : vector<16xf32>
        %add3A_964 = arith.addf %add3A_957, %abs3A_963 : vector<16xf32>
        %get3A_965 = arith.index_cast %add3A_937 : i32 to index
        %get3A_966 = arith.constant 64 : index
        %get3A_967 = tpu.vector_load %arg6[%get3A_965, %get3A_966] {strides = array<i32>} : memref<384x128xf32, #tpu.memory_space<vmem>>, vector<1x16xf32>,
        %get3A_968 = vector.shape_cast %get3A_967 : vector<1x16xf32> to vector<16xf32>
        %sub3A_969 = arith.subf %get3A_99, %get3A_968 : vector<16xf32>
        %abs3A_970 = math.absf %sub3A_969 : vector<16xf32>
        %add3A_971 = arith.addf %add3A_964, %abs3A_970 : vector<16xf32>
        %get3A_972 = arith.index_cast %add3A_937 : i32 to index
        %get3A_973 = arith.constant 80 : index
        %get3A_974 = tpu.vector_load %arg6[%get3A_972, %get3A_973] {strides = array<i32>} : memref<384x128xf32, #tpu.memory_space<vmem>>, vector<1x16xf32>,
        %get3A_975 = vector.shape_cast %get3A_974 : vector<1x16xf32> to vector<16xf32>
        %sub3A_976 = arith.subf %get3A_103, %get3A_975 : vector<16xf32>
        %abs3A_977 = math.absf %sub3A_976 : vector<16xf32>
        %add3A_978 = arith.addf %add3A_971, %abs3A_977 : vector<16xf32>
        %get3A_979 = arith.index_cast %add3A_937 : i32 to index
        %get3A_980 = arith.constant 96 : index
        %get3A_981 = tpu.vector_load %arg6[%get3A_979, %get3A_980] {strides = array<i32>} : memref<384x128xf32, #tpu.memory_space<vmem>>, vector<1x16xf32>,
        %get3A_982 = vector.shape_cast %get3A_981 : vector<1x16xf32> to vector<16xf32>
        %sub3A_983 = arith.subf %get3A_107, %get3A_982 : vector<16xf32>
        %abs3A_984 = math.absf %sub3A_983 : vector<16xf32>
        %add3A_985 = arith.addf %add3A_978, %abs3A_984 : vector<16xf32>
        %get3A_986 = arith.index_cast %add3A_937 : i32 to index
        %get3A_987 = arith.constant 112 : index
        %get3A_988 = tpu.vector_load %arg6[%get3A_986, %get3A_987] {strides = array<i32>} : memref<384x128xf32, #tpu.memory_space<vmem>>, vector<1x16xf32>,
        %get3A_989 = vector.shape_cast %get3A_988 : vector<1x16xf32> to vector<16xf32>
        %sub3A_990 = arith.subf %get3A_111, %get3A_989 : vector<16xf32>
        %abs3A_991 = math.absf %sub3A_990 : vector<16xf32>
        %add3A_992 = arith.addf %add3A_985, %abs3A_991 : vector<16xf32>
        %gather3A_993 = vector.shape_cast %broadcast_in_dim3A : vector<16x1xi32> to vector<16xi32>
        %gather3A_994 = tpu.dynamic_gather %add3A_992[%gather3A_993] in [0] : vector<16xf32>, vector<16xi32> -> vector<16xf32>
        %add3A_995 = arith.addf %add3A_992, %gather3A_994 : vector<16xf32>
        %gather3A_996 = vector.shape_cast %broadcast_in_dim3A_65 : vector<16x1xi32> to vector<16xi32>
        %gather3A_997 = tpu.dynamic_gather %add3A_995[%gather3A_996] in [0] : vector<16xf32>, vector<16xi32> -> vector<16xf32>
        %add3A_998 = arith.addf %add3A_995, %gather3A_997 : vector<16xf32>
        %gather3A_999 = vector.shape_cast %broadcast_in_dim3A_69 : vector<16x1xi32> to vector<16xi32>
        %gather3A_1000 = tpu.dynamic_gather %add3A_998[%gather3A_999] in [0] : vector<16xf32>, vector<16xi32> -> vector<16xf32>
        %add3A_1001 = arith.addf %add3A_998, %gather3A_1000 : vector<16xf32>
        %gather3A_1002 = vector.shape_cast %broadcast_in_dim3A_73 : vector<16x1xi32> to vector<16xi32>
        %gather3A_1003 = tpu.dynamic_gather %add3A_1001[%gather3A_1002] in [0] : vector<16xf32>, vector<16xi32> -> vector<16xf32>
        %add3A_1004 = arith.addf %add3A_1001, %gather3A_1003 : vector<16xf32>
        %eq3A_1005 = arith.constant 11 : i32
        %eq3A_1006 = vector.broadcast %eq3A_1005 : i32 to vector<16xi32>
        %eq3A_1007 = arith.cmpi eq, %iota3A, %eq3A_1006 : vector<16xi32>
        %select_n3A_1008 = arith.select %eq3A_1007, %add3A_1004, %select_n3A_933 : vector<16xi1>, vector<16xf32>
        %swap3A = arith.index_cast %scan3A_80 : i32 to index
        %swap3A_1009 = arith.constant 0 : index
        %swap3A_1010 = tpu.vector_load %arg8[%swap3A, %swap3A_1009] {strides = array<i32>} : memref<32x16xf32, #tpu.memory_space<vmem>>, vector<1x16xf32>,
        %swap3A_1011 = vector.shape_cast %swap3A_1010 : vector<1x16xf32> to vector<16xf32>
        %swap3A_1012 = vector.shape_cast %select_n3A_1008 : vector<16xf32> to vector<1x16xf32>
        tpu.vector_store %arg8[%swap3A, %swap3A_1009], %swap3A_1012 {strides = array<i32>} : memref<32x16xf32, #tpu.memory_space<vmem>>, vector<1x16xf32>,
      }
      %scan3A_79 = arith.constant 32 : i32
      "tpu.region"() ({
        %run_scoped3A = tpu.sem_alloc : memref<!tpu.dma_semaphore, #tpu.memory_space<semaphore_mem>>
        %dma_start3A_80 = arith.constant 0 : i32
        %dma_start3A_81 = tpu.memref_slice %arg4[%add3A_11, %dma_start3A_80] : memref<16384x16xf32, #tpu.memory_space<hbm>> -> memref<32x16xf32, #tpu.memory_space<hbm>>
        %dma_start3A_82 = arith.constant 0 : i32
        %dma_start3A_83 = tpu.memref_slice %arg4[%add3A_11, %dma_start3A_82] : memref<16384x16xf32, #tpu.memory_space<hbm>> -> memref<32x16xf32, #tpu.memory_space<hbm>>
        tpu.enqueue_dma source(%arg8 : memref<32x16xf32, #tpu.memory_space<vmem>>) target(%dma_start3A_83 : memref<32x16xf32, #tpu.memory_space<hbm>>) target_semaphore(%run_scoped3A : memref<!tpu.dma_semaphore, #tpu.memory_space<semaphore_mem>>)
        %dma_wait3A_84 = arith.constant 0 : i32
        %dma_wait3A_85 = tpu.memref_slice %arg4[%add3A_11, %dma_wait3A_84] : memref<16384x16xf32, #tpu.memory_space<hbm>> -> memref<32x16xf32, #tpu.memory_space<hbm>>
        %dma_wait3A_86 = arith.constant 0 : i32
        %dma_wait3A_87 = tpu.memref_slice %arg4[%add3A_11, %dma_wait3A_86] : memref<16384x16xf32, #tpu.memory_space<hbm>> -> memref<32x16xf32, #tpu.memory_space<hbm>>
        tpu.wait_dma2 semaphore(%run_scoped3A : memref<!tpu.dma_semaphore, #tpu.memory_space<semaphore_mem>>) src(%arg8 : memref<32x16xf32, #tpu.memory_space<vmem>>) dst(%dma_wait3A_87 : memref<32x16xf32, #tpu.memory_space<hbm>>)
        tpu.yield
      }) : () -> ()
    }
    %scan3A_5 = arith.constant 16 : i32
    return
  }
}

module attributes {stable_mosaic.version = 14 : i64} {
  func.func @_knn_body(%arg0: i32, %arg1: memref<256x128xf32, #tpu.memory_space<vmem>>, %arg2: memref<128x16384xf32, #tpu.memory_space<vmem>>, %arg3: memref<256x12xi32, #tpu.memory_space<vmem>>, %arg4: memref<256x16384xf32, #tpu.memory_space<vmem>>) attributes {dimension_semantics = [#tpu.dimension_semantics<arbitrary>], iteration_bounds = array<i64: 64>, scalar_prefetch = 0 : i64, scratch_operands = 1 : i64, tpu.core_type = #tpu.core_type<tc>, window_params = [{transform_indices = @transform_0, window_bounds = array<i64: 256, 128>}, {pipeline_mode = #tpu.pipeline_mode<synchronous>, transform_indices = @transform_1, window_bounds = array<i64: 128, 16384>}, {transform_indices = @transform_2, window_bounds = array<i64: 256, 12>}]} {
    %get3A = arith.constant 0 : index
    %get3A_0 = arith.constant 0 : index
    %get3A_1 = vector.load %arg1[%get3A, %get3A_0] : memref<256x128xf32, #tpu.memory_space<vmem>>, vector<256x128xf32>
    %get3A_2 = arith.constant 0 : index
    %get3A_3 = arith.constant 0 : index
    %get3A_4 = vector.load %arg2[%get3A_2, %get3A_3] : memref<128x16384xf32, #tpu.memory_space<vmem>>, vector<128x16384xf32>
    %mul3A = arith.mulf %get3A_1, %get3A_1 : vector<256x128xf32>
    %reduce_sum3A = arith.constant dense<0.000000e+00> : vector<256xf32>
    %reduce_sum3A_5 = vector.multi_reduction <add>, %mul3A, %reduce_sum3A [1] : vector<256x128xf32> to vector<256xf32>
    %broadcast_in_dim3A = vector.shape_cast %reduce_sum3A_5 : vector<256xf32> to vector<256x1xf32>
    %mul3A_6 = arith.mulf %get3A_4, %get3A_4 : vector<128x16384xf32>
    %reduce_sum3A_7 = arith.constant dense<0.000000e+00> : vector<16384xf32>
    %reduce_sum3A_8 = vector.multi_reduction <add>, %mul3A_6, %reduce_sum3A_7 [0] : vector<128x16384xf32> to vector<16384xf32>
    %broadcast_in_dim3A_9 = vector.shape_cast %reduce_sum3A_8 : vector<16384xf32> to vector<1x16384xf32>
    %dot_general3A = arith.constant dense<0.000000e+00> : vector<256x16384xf32>
    %dot_general3A_10 = tpu.matmul %get3A_1, %get3A_4, %dot_general3A {dimension_numbers = #tpu.dot_dimension_numbers<[1], [0], [0], [1], [0, 0, 1, 1], [], []>, transpose_lhs_hint = false} : vector<256x128xf32>, vector<128x16384xf32>, vector<256x16384xf32> -> vector<256x16384xf32>
    %mul3A_11 = arith.constant 2.000000e+00 : f32
    %mul3A_12 = vector.broadcast %mul3A_11 : f32 to vector<256x16384xf32>
    %mul3A_13 = arith.mulf %mul3A_12, %dot_general3A_10 : vector<256x16384xf32>
    %sub3A = vector.broadcast %broadcast_in_dim3A : vector<256x1xf32> to vector<256x16384xf32>
    %sub3A_14 = arith.subf %sub3A, %mul3A_13 : vector<256x16384xf32>
    %add3A = vector.broadcast %broadcast_in_dim3A_9 : vector<1x16384xf32> to vector<256x16384xf32>
    %add3A_15 = arith.addf %sub3A_14, %add3A : vector<256x16384xf32>
    %swap3A = arith.constant 0 : index
    %swap3A_16 = arith.constant 0 : index
    %swap3A_17 = vector.load %arg4[%swap3A, %swap3A_16] : memref<256x16384xf32, #tpu.memory_space<vmem>>, vector<256x16384xf32>
    tpu.vector_store %arg4[%swap3A, %swap3A_16], %add3A_15 {strides = array<i32>} : memref<256x16384xf32, #tpu.memory_space<vmem>>, vector<256x16384xf32>,
    %iota3A = tpu.iota {dimensions = array<i32: 1>} : vector<256x16384xi32>
    %iota3A_18 = tpu.iota {dimensions = array<i32: 1>} : vector<256x12xi32>
    %broadcast_in_dim3A_19 = arith.constant 0.000000e+00 : f32
    %broadcast_in_dim3A_20 = vector.broadcast %broadcast_in_dim3A_19 : f32 to vector<256x12xf32>
    %broadcast_in_dim3A_21 = arith.constant 0 : i32
    %broadcast_in_dim3A_22 = vector.broadcast %broadcast_in_dim3A_21 : i32 to vector<256x12xi32>
    %scan3A = arith.constant 16384 : i32
    %scan3A_23 = arith.constant 0x7F800000 : f32
    %scan3A_24 = arith.constant 0 : i32
    %scan3A_25 = arith.constant 12 : i32
    %scan3A_26 = arith.addi %scan3A_24, %scan3A_25 : i32
    %scan3A_27 = arith.constant 1 : i32
    %scan3A_28:2 = scf.for %scan3A_37 = %scan3A_24 to %scan3A_26 step %scan3A_27 iter_args(%scan3A_38 = %broadcast_in_dim3A_20, %scan3A_39 = %broadcast_in_dim3A_22) -> (vector<256x12xf32>, vector<256x12xi32>)  : i32 {
      %get3A_40 = arith.constant 0 : index
      %get3A_41 = arith.constant 0 : index
      %get3A_42 = vector.load %arg4[%get3A_40, %get3A_41] : memref<256x16384xf32, #tpu.memory_space<vmem>>, vector<256x16384xf32>
      %reduce_min3A = arith.constant dense<0x7F800000> : vector<256xf32>
      %reduce_min3A_43 = vector.multi_reduction <minimumf>, %get3A_42, %reduce_min3A [1] : vector<256x16384xf32> to vector<256xf32>
      %broadcast_in_dim3A_44 = vector.shape_cast %reduce_min3A_43 : vector<256xf32> to vector<256x1xf32>
      %eq3A = vector.broadcast %broadcast_in_dim3A_44 : vector<256x1xf32> to vector<256x16384xf32>
      %eq3A_45 = arith.cmpf oeq, %get3A_42, %eq3A : vector<256x16384xf32>
      %broadcast_in_dim3A_46 = vector.broadcast %scan3A : i32 to vector<256x16384xi32>
      %select_n3A_47 = arith.select %eq3A_45, %iota3A, %broadcast_in_dim3A_46 : vector<256x16384xi1>, vector<256x16384xi32>
      %reduce_min3A_48 = arith.constant dense<2147483647> : vector<256xi32>
      %reduce_min3A_49 = vector.multi_reduction <minsi>, %select_n3A_47, %reduce_min3A_48 [1] : vector<256x16384xi32> to vector<256xi32>
      %broadcast_in_dim3A_50 = vector.shape_cast %reduce_min3A_49 : vector<256xi32> to vector<256x1xi32>
      %eq3A_51 = vector.broadcast %broadcast_in_dim3A_50 : vector<256x1xi32> to vector<256x16384xi32>
      %eq3A_52 = arith.cmpi eq, %iota3A, %eq3A_51 : vector<256x16384xi32>
      %broadcast_in_dim3A_53 = vector.broadcast %scan3A_23 : f32 to vector<256x16384xf32>
      %select_n3A_54 = arith.select %eq3A_52, %broadcast_in_dim3A_53, %get3A_42 : vector<256x16384xi1>, vector<256x16384xf32>
      %swap3A_55 = arith.constant 0 : index
      %swap3A_56 = arith.constant 0 : index
      %swap3A_57 = vector.load %arg4[%swap3A_55, %swap3A_56] : memref<256x16384xf32, #tpu.memory_space<vmem>>, vector<256x16384xf32>
      tpu.vector_store %arg4[%swap3A_55, %swap3A_56], %select_n3A_54 {strides = array<i32>} : memref<256x16384xf32, #tpu.memory_space<vmem>>, vector<256x16384xf32>,
      %eq3A_58 = vector.broadcast %scan3A_37 : i32 to vector<256x12xi32>
      %eq3A_59 = arith.cmpi eq, %iota3A_18, %eq3A_58 : vector<256x12xi32>
      %broadcast_in_dim3A_60 = vector.shape_cast %broadcast_in_dim3A_44 : vector<256x1xf32> to vector<256x1xf32>
      %broadcast_in_dim3A_61 = vector.broadcast %broadcast_in_dim3A_60 : vector<256x1xf32> to vector<256x12xf32>
      %select_n3A_62 = arith.select %eq3A_59, %broadcast_in_dim3A_61, %scan3A_38 : vector<256x12xi1>, vector<256x12xf32>
      %eq3A_63 = vector.broadcast %scan3A_37 : i32 to vector<256x12xi32>
      %eq3A_64 = arith.cmpi eq, %iota3A_18, %eq3A_63 : vector<256x12xi32>
      %broadcast_in_dim3A_65 = vector.shape_cast %broadcast_in_dim3A_50 : vector<256x1xi32> to vector<256x1xi32>
      %broadcast_in_dim3A_66 = vector.broadcast %broadcast_in_dim3A_65 : vector<256x1xi32> to vector<256x12xi32>
      %select_n3A_67 = arith.select %eq3A_64, %broadcast_in_dim3A_66, %scan3A_39 : vector<256x12xi1>, vector<256x12xi32>
      scf.yield %select_n3A_62, %select_n3A_67 : vector<256x12xf32>, vector<256x12xi32>
    }
    %scan3A_29 = arith.constant 12 : i32
    %gt3A = arith.constant 1.000000e+00 : f32
    %gt3A_30 = vector.broadcast %gt3A : f32 to vector<256x12xf32>
    %gt3A_31 = arith.cmpf ogt, %scan3A_28#0, %gt3A_30 : vector<256x12xf32>
    %slice3A = vector.extract_strided_slice %scan3A_28#1 {offsets = [0, 0], sizes = [256, 1], strides = [1, 1]} : vector<256x12xi32> to vector<256x1xi32>
    %broadcast_in_dim3A_32 = vector.shape_cast %slice3A : vector<256x1xi32> to vector<256x1xi32>
    %broadcast_in_dim3A_33 = vector.broadcast %broadcast_in_dim3A_32 : vector<256x1xi32> to vector<256x12xi32>
    %select_n3A = arith.select %gt3A_31, %broadcast_in_dim3A_33, %scan3A_28#1 : vector<256x12xi1>, vector<256x12xi32>
    %swap3A_34 = arith.constant 0 : index
    %swap3A_35 = arith.constant 0 : index
    %swap3A_36 = vector.load %arg3[%swap3A_34, %swap3A_35] : memref<256x12xi32, #tpu.memory_space<vmem>>, vector<256x12xi32>
    tpu.vector_store %arg3[%swap3A_34, %swap3A_35], %select_n3A {strides = array<i32>} : memref<256x12xi32, #tpu.memory_space<vmem>>, vector<256x12xi32>,
    return
  }
  func.func @transform_0(%arg0: i32) -> (i32, i32) {
    %c0_i32 = arith.constant 0 : i32
    %c0_i32_0 = arith.constant 0 : i32
    return %arg0, %c0_i32 : i32, i32
  }
  func.func @transform_1(%arg0: i32) -> (i32, i32) {
    %c0_i32 = arith.constant 0 : i32
    %c0_i32_0 = arith.constant 0 : i32
    %c0_i32_1 = arith.constant 0 : i32
    return %c0_i32, %c0_i32_0 : i32, i32
  }
  func.func @transform_2(%arg0: i32) -> (i32, i32) {
    %c0_i32 = arith.constant 0 : i32
    %c0_i32_0 = arith.constant 0 : i32
    return %arg0, %c0_i32 : i32, i32
  }
}

</mosaic_0001>

<sc_bundles>
// kernel: kernel.4.cloned.1.call-start
scs
__scs_entry_jumppad:
0x0: {  	(pc) =	sbr.rel $0x88, $3  }
0x1: {  	(tag) =	ssettag $0x0;
	lr =	simm.s32 $0x1  }
0x2: {  	[smem:$0x3F9F] =	sst lr;
	_ =	strace $0xD0000000  }
0x3: {  	_ = 	snop  }
0x4: {  	_ = 	snop  }
0x5: {  	_ = 	snop  }
0x6: {  	_ = 	snop  }
0x7: {  	_ = 	snop  }
__scs_overlays_trampoline_lowered:
0x8: {  	[smem:$0x3FAE] =	sst s0  }
0x9: {  	[smem:$0x3FAF] =	sst s1  }
0xa: {  	[smem:$0x3FB0] =	sst s2  }
0xb: {  	[smem:$0x3FB1] =	sst s3  }
0xc: {  	[smem:$0x3FB2] =	sst s4  }
0xd: {  	[smem:$0x3FB3] =	sst s5  }
0xe: {  	[smem:$0x3FB4] =	sst s6  }
0xf: {  	[smem:$0x3FB5] =	sst s7  }
0x10: {  	[smem:$0x3FB6] =	sst s8  }
0x11: {  	[smem:$0x3FB7] =	sst s9;
	s0 =	simm.s32 @!p0 $0x0  }
0x12: {  	s1 =	sld [smem:$0x3F9D];
	s0 =	simm.s32 @p0 $0x1  }
0x13: {  	[smem:$0x3FB8] =	sst s0;
	s0 =	simm.s32 @!p1 $0x0  }
0x14: {  	s2 =	sld [smem:$0x3F9C];
	s0 =	simm.s32 @p1 $0x1  }
0x15: {  	[smem:$0x3FB9] =	sst s0;
	s0 =	simm.s32 @!p2 $0x0  }
0x16: {  	s3 =	sld [smem:$0x3FDB];
	s0 =	simm.s32 @p2 $0x1  }
0x17: {  	s4 =	simm.s32 $0x1BF5;
	[smem:$0x3FBB] =	sst s0  }
0x18: {  	s0 =	sld [smem:$0x3F9E];
	_ =	swait.ge [sflag:s4], $0x0  }
0x19: {  	s7 =	sld [smem:$0x3F9F]  }
0x1a: {  	s8 =	sadd.s32 $0xFFFFE003, lr  }
0x1b: {  	s9 =	sadd.s32 $0xFFFFFEF7, lr;
	s5 =	simm.s32 $0xFFFFFFFF;
	p2 =	slt.u32 s8, $0xFFFFF086  }
0x1c: {  	p1 =	slt.u32 s9, $0xF7A;
	s5 =	simm.s32 @!p2 $0x0  }
0x1d: {  	s5 =	simm.s32 @p1 $0x1;
	p0 =	seq.s32 s7, s2  }
0x1e: {  	s7 =	smul.u32 @!p0 $0xF7A, s2;
	p2 =	seq.s32 @!p0 s5, $0x0  }
0x1f: {  	s9 =	smul.u32 $0xF7A, s1;
	s8 =	simm.s32 @!p0 $0x1BF5;
	p2 =	por !p2, p0  }
0x20: {  	[sflag:s8] =	ssyncset.s32 @!p0 $0xFFFFF086;
	s6 =	sadd.s32 @!p0 s3, s7;
	s7 =	simm.s32 @!p0 $0x108  }
0x21: {  	s3 =	sadd.s32 s3, s9;
	s6 =	sadd.s32 @!p0 $0x88, s6;
	s7 =	simm.s32 @p2 $0x1082  }
0x22: {  	[simem:s7], [sflag:s8] =	dma.local @!p0 [hbm:s6], $0xF7A  }
0x23: {  	s9 =	sor.u32 $0xD0000000, s2;
	s6 =	simm.s32 $0x108;
	_ =	swait.ge @!p0 [sflag:s8], $0x0  }
0x24: {  	s3 =	sadd.s32 $0x88, s3;
	s6 =	simm.s32 @!p1 $0x1082;
	[sflag:s4] =	ssyncset.s32 $0xFFFFF086  }
0x25: {  	[simem:s6], [sflag:s4] =	dma.local [hbm:s3], $0xF7A  }
0x26: {  	[smem:$0x3F9F] =	sst s1;
	(tag) =	ssettag s2;
	_ =	strace s9  }
0x27: {  	s1 =	sld [smem:$0x3FAF]  }
0x28: {  	s2 =	sld [smem:$0x3FB0]  }
0x29: {  	s4 =	sld [smem:$0x3FB2]  }
0x2a: {  	p0 =	seq.s32 s5, $0x0;
	s5 =	sld [smem:$0x3FB3]  }
0x2b: {  	s6 =	sld [smem:$0x3FB4]  }
0x2c: {  	s7 =	sld [smem:$0x3FB5]  }
0x2d: {  	s3 =	simm.s32 $0x108;
	s8 =	sld [smem:$0x3FB6]  }
0x2e: {  	s3 =	simm.s32 @!p0 $0x1082;
	s9 =	sld [smem:$0x3FB7]  }
0x2f: {  	lr =	sadd.s32 s0, s3;
	s0 =	sld [smem:$0x3FAE]  }
0x30: {  	s3 =	sld [smem:$0x3FB1]  }
0x31: {  	[smem:$0x3FBA] =	sst s10  }
0x32: {  	s10 =	sld [smem:$0x3FB8];
	_ =	sdelay $0x3  }
0x33: {  	p0 =	seq.s32 s10, $0x1;
	s10 =	sld [smem:$0x3FBA];
	_ =	sdelay $0x3  }
0x34: {  	[smem:$0x3FBA] =	sst s10  }
0x35: {  	s10 =	sld [smem:$0x3FB9];
	_ =	sdelay $0x3  }
0x36: {  	p1 =	seq.s32 s10, $0x1;
	s10 =	sld [smem:$0x3FBA];
	_ =	sdelay $0x3  }
0x37: {  	[smem:$0x3FBA] =	sst s10  }
0x38: {  	s10 =	sld [smem:$0x3FBB]  }
0x39: {  	_ = 	snop;
	(pc) =	sbr.ind lr, $3  }
0x3a: {  	_ = 	snop  }
0x3b: {  	_ = 	snop  }
0x3c: {  	p2 =	seq.s32 s10, $0x1;
	s10 =	sld [smem:$0x3FBA]  }
0x3d: {  	_ =	shalt  }
0x3e: {  	_ =	shalt  }
0x3f: {  	_ =	shalt  }
0x40: {  	_ =	shalt  }
0x41: {  	_ =	shalt  }
0x42: {  	_ =	shalt  }
0x43: {  	_ =	shalt  }
0x44: {  	_ =	shalt  }
0x45: {  	_ =	shalt  }
0x46: {  	_ =	shalt  }
0x47: {  	_ =	shalt  }
0x48: {  	_ =	shalt  }
0x49: {  	_ =	shalt  }
0x4a: {  	_ =	shalt  }
0x4b: {  	_ =	shalt  }
0x4c: {  	_ =	shalt  }
0x4d: {  	_ =	shalt  }
0x4e: {  	_ =	shalt  }
0x4f: {  	_ =	shalt  }
0x50: {  	_ =	shalt  }
0x51: {  	_ =	shalt  }
0x52: {  	_ =	shalt  }
0x53: {  	_ =	shalt  }
0x54: {  	_ =	shalt  }
0x55: {  	_ =	shalt  }
0x56: {  	_ =	shalt  }
0x57: {  	_ =	shalt  }
0x58: {  	_ =	shalt  }
0x59: {  	_ =	shalt  }
0x5a: {  	_ =	shalt  }
0x5b: {  	_ =	shalt  }
0x5c: {  	_ =	shalt  }
0x5d: {  	_ =	shalt  }
0x5e: {  	_ =	shalt  }
0x5f: {  	_ =	shalt  }
0x60: {  	_ =	shalt  }
0x61: {  	_ =	shalt  }
0x62: {  	_ =	shalt  }
0x63: {  	_ =	shalt  }
0x64: {  	_ =	shalt  }
0x65: {  	_ =	shalt  }
0x66: {  	_ =	shalt  }
0x67: {  	_ =	shalt  }
0x68: {  	_ =	shalt  }
0x69: {  	_ =	shalt  }
0x6a: {  	_ =	shalt  }
0x6b: {  	_ =	shalt  }
0x6c: {  	_ =	shalt  }
0x6d: {  	_ =	shalt  }
0x6e: {  	_ =	shalt  }
0x6f: {  	_ =	shalt  }
0x70: {  	_ =	shalt  }
0x71: {  	_ =	shalt  }
0x72: {  	_ =	shalt  }
0x73: {  	_ =	shalt  }
0x74: {  	_ =	shalt  }
0x75: {  	_ =	shalt  }
0x76: {  	_ =	shalt  }
0x77: {  	_ =	shalt  }
0x78: {  	_ =	shalt  }
0x79: {  	_ =	shalt  }
0x7a: {  	_ =	shalt  }
0x7b: {  	_ =	shalt  }
0x7c: {  	_ =	shalt  }
0x7d: {  	_ =	shalt  }
0x7e: {  	_ =	shalt  }
0x7f: {  	_ =	shalt  }
0x80: {  	_ =	shalt  }
0x81: {  	_ =	shalt  }
0x82: {  	_ =	shalt  }
0x83: {  	_ =	shalt  }
0x84: {  	_ =	shalt  }
0x85: {  	_ =	shalt  }
0x86: {  	_ =	shalt  }
0x87: {  	_ =	shalt  }
.Lfunc_end0:
.L_simem_size_0:
called_computation_lowered:
.L_overlay_start_0:
0x88: {  	s2 =	sld [smem:$0x3FD9]  }
0x89: {  	s3 =	sld [smem:$0x3FFE];
	_ =	sdelay $0x1  }
0x8a: {  	s1 =	srdreg.scid  }
0x8b: {  	s0 =	sand.u32 $0x1, s1  }
0x8c: {  	s14 =	sshll.u32 s0, $0xA;
	s2 =	sadd.s32 s3, s2  }
0x8d: {  	s2 =	sadd.s32 s2, s14  }
0x8e: {  	[smem:$0x3FC6] =	sst s2  }
0x8f: {  	_ = 	snop  }
0x90: {  	s2 =	sld [smem:$0x3FD0];
	_ =	sdelay $0x2  }
0x91: {  	s15 =	simm.s32 $0xA;
	s4 =	simm.s32 $0x10  }
0x92: {  	[smem:s4], [sflag:s15] =	dma.local [hbm:s2], $0x1  }
0x93: {  	_ =	swait.eq [sflag:s15], $0x1  }
0x94: {  	[sflag:s15] =	ssyncset.done $0x0  }
0x95: {  	[sflag:s15] =	ssyncadd.s32 $0xFFFFFFFF  }
0x96: {  	s16 =	sld [smem:$0x11];
	(tm) =	ssettm $0x1  }
0x97: {  	s17 =	sld [smem:$0x3FFB];
	_ =	sdelay $0x3  }
0x98: {  	_ =	strace s17  }
0x99: {  	s3 =	sld [smem:$0x3FFC];
	_ =	sdelay $0x3  }
0x9a: {  	_ =	strace s3  }
0x9b: {  	s3 =	sld [smem:$0x3FFD];
	_ =	sdelay $0x3  }
0x9c: {  	_ =	strace s3  }
0x9d: {  	_ =	strace $0x8FFFFFFF  }
0x9e: {  	s18 =	sld [smem:$0x3FDB];
	_ =	sdelay $0x1  }
0x9f: {  	s19 =	simm.s32 $_scs_section_size  }
0xa0: {  	s5 =	simm.s32 $_size__tile_overlayer_lowered;
	s6 =	simm.s32 $_tile_overlayer_lowered  }
0xa1: {  	s22 =	simm.s32 $0x1BFF;
	s21 =	sshll.u32 s6, $0x1;
	s3 =	sadd.s32 s19, s18  }
0xa2: {  	s7 =	simm.s32 $0x0;
	s20 =	sshll.u32 s5, $0x1;
	s5 =	sadd.s32 s21, s3  }
0xa3: {  	[timem:s7], [sflag:s22] =	dma.local [hbm:s5], s20  }
0xa4: {  	_ =	swait.ge [sflag:s22], s20  }
0xa5: {  	s4 =	ssub.s32 $0x0, s20;
	[sflag:s22] =	ssyncset.done $0x0  }
0xa6: {  	[sflag:s22] =	ssyncadd.s32 s4;
	_ =	sdelay $0x1  }
0xa7: {  	s23 =	simm.s32 $0x1B8B  }
0xa8: {  	_ =	swait.ge [sflag:s23], $0x1  }
0xa9: {  	[sflag:s23] =	ssyncset.done $0x0  }
0xaa: {  	s25 =	simm.s32 $0x1B8E;
	s24 =	sld [smem:$0x3FFE];
	[sflag:s23] =	ssyncadd.s32 $0xFFFFFFFF  }
0xab: {  	s26 =	simm.s32 $execute0_lowered;
	[smem:$0x3FD2] =	sst s25  }
0xac: {  	s5 =	sshll.u32 s26, $0x1;
	_ =	strace $0x80000046;
	[dreg:$0x1] =	wrdreg $0xFFFFFFFF  }
0xad: {  	s28 =	simm.s32 $_size_execute0_lowered;
	s3 =	sadd.s32 s3, s5;
	[dreg:$0x0] =	wrdreg $0x0  }
0xae: {  	s5 =	sshll.u32 s28, $0x1;
	[dreg:$0x2] =	wrdreg s3  }
0xaf: {  	[dreg:$0x3] =	wrdreg s5  }
0xb0: {  	[dreg:$0x4] =	wrdreg $0xC0  }
0xb1: {  	_ =	task [dreg:s7], $0x5FFFF  }
0xb2: {  	[dreg:$0x1] =	wrdreg $0xFFFFFFFF  }
0xb3: {  	[dreg:$0x0] =	wrdreg $0x60  }
0xb4: {  	[dreg:$0x2] =	wrdreg s24  }
0xb5: {  	[dreg:$0x3] =	wrdreg s16  }
0xb6: {  	[dreg:$0x4] =	wrdreg $0x9  }
0xb7: {  	_ =	task.clear_ibuf [dreg:s7], $0x5FFFF;
	_ =	strace $0x90000046  }
0xb8: {  	s29 =	simm.s32 $0x9;
	_ =	strace $0x80000048  }
0xb9: {  	_ =	swait.ge [sflag:s29], $0x1  }
0xba: {  	[sflag:s29] =	ssyncadd.s32 $0xFFFFFFFF  }
0xbb: {  	_ =	strace $0x90000048  }
0xbc: {  	_ =	sfence  }
0xbd: {  	s30 =	sld [smem:$0x0];
	_ =	sdelay $0x2  }
0xbe: {  	s31 =	sshll.u32 s1, $0xD;
	s1 =	sshrl.u32 s1, $0x2  }
0xbf: {  	s3 =	sand.u32 $0x4000, s31;
	s1 =	sadd.s32 s1, s30  }
0xc0: {  	s0 =	sor.u32 s3, s0;
	s1 =	sshll.u32 s1, $0x11  }
0xc1: {  	s0 =	sor.u32 s1, s0  }
0xc2: {  	s0 =	sadd.s32 $0x8F2B, s0  }
0xc3: {  	[sflag:s0] =	ssyncadd.remote.s32 $0x1  }
0xc4: {  	_ =	sfence.sel $0xFFFF  }
0xc5: {  	[dreg:$0x0] =	wrdreg $0xFFFFFFFF;
	(pc) =	sbr.abs _section_cstart, $3  }
0xc6: {  	[dreg:$0x1] =	wrdreg $0xFFFFFFFF  }
0xc7: {  	_ =	task.clear_ibuf [dreg:s7], $0x2FFFF;
	_ =	strace $0x9FFFFFFF  }
0xc8: {  	(tm) =	ssettm $0x7FFFFFFF  }
0xc9: {  	_ =	shalt  }
tec
execute0_lowered:
.L_overlay_start_1:
0x0: {  	(tag) =	ssettag $0x1  }
0x1: {  	v0 =	vimm.s32 $0xFEDCBA98;
	v1 =	vimm.s32 $0x76543210  }
0x2: {  	v2 =	vimm.s32 $0xBA98FEDC;
	v3 =	vimm.s32 $0x32107654;
	v4 =	vimm.s32 $0xDCFE98BA  }
0x3: {  	v5 =	vimm.s32 $0x54761032;
	v6 =	vimm.s32 $0xEFCDAB89;
	v7 =	vimm.s32 $0x67452301  }
0x4: {  	vm0 =	vmmov $0x1;
	vm1 =	vcmask $0x330;
	vm2 =	vcmask $0x730  }
0x5: {  	s3 =	rddreg [dreg:$0x0];
	vm3 =	vcmask $0xB30;
	vm4 =	vcmask $0xF30;
	vm5 =	vcmask $0x1330  }
0x6: {  	s1 =	rddreg [dreg:$0x1];
	vm6 =	vcmask $0x1730;
	vm7 =	vcmask $0x1B30;
	vm8 =	vcmask $0x1F30  }
0x7: {  	s0 =	rddreg [dreg:$0x2];
	s2 =	simm.s32 $0x0;
	v0 =	vunpack.c.l.s4.s8 v0;
	v1 =	vunpack.c.l.s4.s8 v1;
	v2 =	vunpack.c.l.s4.s8 v2  }
0x8: {  	s4 =	srdreg.scid;
	s9 =	simm.s32 $0x80;
	s10 =	simm.s32 $0x180;
	v3 =	vunpack.c.l.s4.s8 v3;
	v4 =	vunpack.c.l.s4.s8 v4;
	v5 =	vunpack.c.l.s4.s8 v5  }
0x9: {  	s11 =	simm.s32 $0x4180;
	s12 =	simm.s32 $0x100;
	s13 =	simm.s32 $0x8180;
	v6 =	vunpack.c.l.s4.s8 v6;
	v7 =	vunpack.c.l.s4.s8 v7;
	v0 =	vunpack.c.0.s8.s32 v0  }
0xa: {  	s14 =	simm.s32 $0xC180;
	s15 =	simm.s32 $0x1;
	s16 =	simm.s32 $0xD180;
	v2 =	vunpack.c.0.s8.s32 v2;
	v3 =	vunpack.c.0.s8.s32 v3;
	v4 =	vunpack.c.0.s8.s32 v4  }
0xb: {  	s17 =	simm.s32 $0x0;
	[smem:$0x7FF] =	sst s2;
	s6 =	sand.u32 $0x1, s4;
	v5 =	vunpack.c.0.s8.s32 v5;
	v6 =	vunpack.c.0.s8.s32 v6;
	v7 =	vunpack.c.0.s8.s32 v7  }
0xc: {  	vm9 =	vcmask $0x2330;
	s4 =	sadd.s32 $0xA00, s3;
	s5 =	sadd.s32 $0x40A00, s3;
	s7 =	ssub.s32 $0x2, s6;
	v1 =	vunpack.c.0.s8.s32 v1;
	v2 =	vcombine.low v3, v2  }
0xd: {  	s3 =	stileid.u32;
	_ =	strace $0x80000047;
	s8 =	sshrl.u32 s7, $0x1;
	v3 =	vcombine.low v5, v4;
	v4 =	vcombine.low v7, v6;
	v0 =	vand.u32 $0xF, v0  }
0xe: {  	vm10 =	vcmask $0x2730;
	vm11 =	vcmask $0x2B30;
	s31 =	sshll.u32 s3, $0xA;
	s6 =	sshll.u32 s6, $0x9;
	s7 =	ssub.s32 s7, s8;
	v0 =	vcombine.low v0, v1  }
0xf: {  	s6 =	sor.u32 s6, s31;
	s8 =	simm.s32 $0x2;
	s7 =	smax.u32 s7, $0x1;
	v1 =	vand.u32 $0xF, v2;
	v2 =	vand.u32 $0xF, v3;
	v3 =	vand.u32 $0xF, v4  }
.LBB2_1:
0x10: {  	s18 =	simm.s32 $0x0  }
.LBB2_2:
0x11: {  	s19 =	sshll.u32 s18, $0x5  }
0x12: {  	s19 =	sadd.s32 s6, s19  }
0x13: {  	s20 =	smul.u32 $0xC, s19;
	_ =	sdelay $0x1  }
0x14: {  	s20 =	sshrl.u32 s20, $0x3  }
0x15: {  	s21 =	simm.s32 $0x0;
	s20 =	sadd.s32 s1, s20  }
0x16: {  	[tilespmem:s21], [sflag:$0x2] =	stream.linear.gather [hbm4b:s20+s21], $0x180, $0x38;
	[tilespmem:$0xE180] =	vst v63  }
0x17: {  	_ =	swait.ge [sflag:s8], $0x180  }
0x18: {  	[sflag:s8] =	ssyncset.done $0x0  }
0x19: {  	[sflag:s8] =	ssyncadd.s32 $0xFFFFFE80  }
0x1a: {  	[tilespmem:s10], [sflag:$0x1] =	stream.indirect.gather [hbm4b:s4+s9], $0x80, s21, s9, $0xb8;
	[tilespmem:$0xE180] =	vst v63  }
0x1b: {  	_ = 	snop  }
0x1c: {  	[tilespmem:s11], [sflag:$0x1] =	stream.indirect.gather [hbm4b:s4+s9], $0x80, s9, s9, $0xb8;
	[tilespmem:$0xE180] =	vst v63  }
0x1d: {  	s19 =	sshll.u32 s19, $0x4  }
0x1e: {  	[tilespmem:s13], [sflag:$0x1] =	stream.indirect.gather [hbm4b:s4+s9], $0x80, s12, s9, $0xb8;
	[tilespmem:$0xE180] =	vst v63  }
0x1f: {  	s31 =	sadd.s32 s4, s19  }
0x20: {  	[tilespmem:s14], [sflag:$0x2] =	stream.linear.gather [hbm4b:s31+s21], $0x1000, $0x38;
	[tilespmem:$0xE180] =	vst v63  }
0x21: {  	_ =	swait.ge [sflag:s8], $0x1000  }
0x22: {  	[sflag:s8] =	ssyncset.done $0x0  }
0x23: {  	[sflag:s8] =	ssyncadd.s32 $0xFFFFF000  }
0x24: {  	_ =	swait.ge [sflag:s15], $0x4000  }
0x25: {  	[sflag:s15] =	ssyncset.done $0x0  }
0x26: {  	[sflag:s15] =	ssyncadd.s32 $0xFFFFC000  }
0x27: {  	_ =	swait.ge [sflag:s15], $0x4000  }
0x28: {  	[sflag:s15] =	ssyncset.done $0x0  }
0x29: {  	[sflag:s15] =	ssyncadd.s32 $0xFFFFC000  }
0x2a: {  	_ =	swait.ge [sflag:s15], $0x4000  }
0x2b: {  	[sflag:s15] =	ssyncset.done $0x0  }
0x2c: {  	s20 =	simm.s32 $0x0;
	[sflag:s15] =	ssyncadd.s32 $0xFFFFC000  }
0x2d: {  	v19 =	vld [tilespmem:s20+$0xC1F0]  }
0x2e: {  	v16 =	vld [tilespmem:s20+$0xC1E0]  }
0x2f: {  	v15 =	vld [tilespmem:s20+$0xC1D0]  }
0x30: {  	v9 =	vld [tilespmem:s20+$0xC1C0]  }
0x31: {  	v8 =	vld [tilespmem:s20+$0xC1B0]  }
0x32: {  	v4 =	vld [tilespmem:s20+$0xC1A0]  }
0x33: {  	v5 =	vld [tilespmem:s20+$0xC180]  }
0x34: {  	s21 =	simm.s32 $0x480;
	v7 =	vld [tilespmem:s20+$0xC190]  }
0x35: {  	v6 =	vld [tilespmem:s21+$0x2F0]  }
0x36: {  	v10 =	vld [tilespmem:s21+$0x270]  }
0x37: {  	v11 =	vld [tilespmem:s21+$0x2E0]  }
0x38: {  	v12 =	vld [tilespmem:s21+$0x1F0]  }
0x39: {  	v13 =	vld [tilespmem:s21+$0x260]  }
0x3a: {  	v14 =	vld [tilespmem:s21+$0x2D0]  }
0x3b: {  	v17 =	vld [tilespmem:s21+$0x170]  }
0x3c: {  	v18 =	vld [tilespmem:s21+$0x280]  }
0x3d: {  	v20 =	vld [tilespmem:s21+$0x290]  }
0x3e: {  	v21 =	vld [tilespmem:s21+$0x1E0]  }
0x3f: {  	v22 =	vld [tilespmem:s21+$0x2A0]  }
0x40: {  	v23 =	vld [tilespmem:s21+$0x2C0]  }
0x41: {  	v24 =	vld [tilespmem:s21+$0x2B0]  }
0x42: {  	v25 =	vld [tilespmem:s21+$0x200]  }
0x43: {  	v26 =	vld [tilespmem:s21+$0x210];
	v10 =	vsub.f32 v19, v10  }
0x44: {  	v27 =	vld [tilespmem:s21+$0x250];
	v6 =	vsub.f32 v19, v6;
	v18 =	vsub.f32 v5, v18  }
0x45: {  	v28 =	vld [tilespmem:s21+$0x220];
	v20 =	vsub.f32 v7, v20;
	v12 =	vsub.f32 v19, v12  }
0x46: {  	v33 =	vld [tilespmem:s21+$0x1B0];
	v11 =	vsub.f32 v16, v11;
	v22 =	vsub.f32 v4, v22  }
0x47: {  	v36 =	vld [tilespmem:s21+$0x130];
	v13 =	vsub.f32 v16, v13;
	v24 =	vsub.f32 v8, v24  }
0x48: {  	v37 =	vld [tilespmem:s21+$0x110];
	v14 =	vsub.f32 v15, v14;
	v25 =	vsub.f32 v5, v25  }
0x49: {  	v29 =	vld [tilespmem:s21+$0x230];
	v26 =	vsub.f32 v7, v26;
	v17 =	vsub.f32 v19, v17  }
0x4a: {  	v30 =	vld [tilespmem:s21+$0x240];
	v28 =	vsub.f32 v4, v28;
	v21 =	vsub.f32 v16, v21  }
0x4b: {  	v31 =	vld [tilespmem:s21+$0x70];
	v27 =	vsub.f32 v15, v27;
	v18 =	vand.u32 $0x7FFFFFFF, v18;
	v20 =	vand.u32 $0x7FFFFFFF, v20  }
0x4c: {  	v39 =	vld [tilespmem:s21+$0xA0];
	v33 =	vsub.f32 v8, v33;
	v18 =	vadd.f32 v20, v18  }
0x4d: {  	v38 =	vld [tilespmem:s21+$0xFFFFFEF0];
	v36 =	vsub.f32 v8, v36;
	v37 =	vsub.f32 v7, v37;
	v22 =	vand.u32 $0x7FFFFFFF, v22  }
0x4e: {  	v47 =	vld [tilespmem:s21+$0xFFFFFEB0];
	v25 =	vand.u32 $0x7FFFFFFF, v25;
	v26 =	vand.u32 $0x7FFFFFFF, v26;
	v18 =	vadd.f32 v22, v18  }
0x4f: {  	v56 =	vld [tilespmem:s21+$0xB0];
	v24 =	vand.u32 $0x7FFFFFFF, v24;
	v25 =	vadd.f32 v26, v25;
	v22 =	vsub.f32 v9, v23  }
0x50: {  	v20 =	vld [tilespmem:s21+$0xF0];
	v26 =	vand.u32 $0x7FFFFFFF, v28;
	v28 =	vsub.f32 v8, v29;
	v18 =	vadd.f32 v24, v18  }
0x51: {  	v39 =	vsub.f32 v4, v39;
	v29 =	vld [tilespmem:s21+$0x150];
	v25 =	vadd.f32 v26, v25;
	v22 =	vand.u32 $0x7FFFFFFF, v22  }
0x52: {  	v23 =	vld [tilespmem:s21+$0x160];
	v26 =	vand.u32 $0x7FFFFFFF, v28;
	v28 =	vsub.f32 v9, v30;
	v18 =	vadd.f32 v22, v18  }
0x53: {  	v47 =	vsub.f32 v8, v47;
	v14 =	vand.u32 $0x7FFFFFFF, v14;
	v30 =	vld [tilespmem:s21+$0xFFFFFFF0];
	v25 =	vadd.f32 v26, v25  }
0x54: {  	v11 =	vand.u32 $0x7FFFFFFF, v11;
	v24 =	vld [tilespmem:s21+$0x1D0];
	v26 =	vand.u32 $0x7FFFFFFF, v28;
	v14 =	vadd.f32 v14, v18  }
0x55: {  	v57 =	vand.u32 $0x7FFFFFFF, v36;
	v36 =	vsub.f32 v19, v38;
	v22 =	vld [tilespmem:s21+$0xE0];
	v25 =	vadd.f32 v26, v25  }
0x56: {  	v6 =	vand.u32 $0x7FFFFFFF, v6;
	v26 =	vsub.f32 v19, v31;
	v31 =	vld [tilespmem:s21+$0x1A0];
	v11 =	vadd.f32 v11, v14  }
0x57: {  	v27 =	vand.u32 $0x7FFFFFFF, v27;
	v14 =	vsub.f32 v19, v20;
	v20 =	vsub.f32 v16, v23;
	v23 =	vld [tilespmem:s21+$0x180]  }
0x58: {  	v55 =	vand.u32 $0x7FFFFFFF, v37;
	v37 =	vsub.f32 v8, v56;
	v28 =	vld [tilespmem:s21+$0x190];
	v29 =	vsub.f32 v15, v29  }
0x59: {  	v18 =	vld [tilespmem:s21+$0x1C0];
	v25 =	vadd.f32 v27, v25;
	v6 =	vadd.f32 v6, v11  }
0x5a: {  	v32 =	vld [tilespmem:s21+$0xD0];
	v13 =	vand.u32 $0x7FFFFFFF, v13;
	v30 =	vsub.f32 v19, v30;
	v24 =	vsub.f32 v15, v24  }
0x5b: {  	v13 =	vadd.f32 v13, v25;
	v25 =	vld [tilespmem:s21+$0x140];
	v22 =	vsub.f32 v16, v22;
	v27 =	vperm.xlane v6, v0  }
0x5c: {  	v10 =	vand.u32 $0x7FFFFFFF, v10;
	v31 =	vsub.f32 v4, v31;
	v11 =	vld [tilespmem:s21+$0x60];
	v23 =	vsub.f32 v5, v23  }
0x5d: {  	v34 =	vld [tilespmem:s21+$0xFFFFFFE0];
	v12 =	vand.u32 $0x7FFFFFFF, v12;
	v6 =	vadd.f32 v6, v27;
	v27 =	vsub.f32 v7, v28  }
0x5e: {  	v50 =	vld [tilespmem:s21+$0x100];
	v33 =	vand.u32 $0x7FFFFFFF, v33;
	v10 =	vadd.f32 v10, v13;
	v18 =	vsub.f32 v9, v18  }
0x5f: {  	v58 =	vld [tilespmem:s21+$0x40];
	v23 =	vand.u32 $0x7FFFFFFF, v23;
	v13 =	vperm.xlane v6, v1;
	v27 =	vand.u32 $0x7FFFFFFF, v27  }
0x60: {  	v53 =	vld [tilespmem:s21+$0x80];
	v25 =	vsub.f32 v9, v25;
	v23 =	vadd.f32 v27, v23;
	v27 =	vperm.xlane v10, v0  }
0x61: {  	v35 =	vld [tilespmem:s21+$0x50];
	v31 =	vand.u32 $0x7FFFFFFF, v31;
	v11 =	vsub.f32 v16, v11;
	v6 =	vadd.f32 v6, v13  }
0x62: {  	v17 =	vand.u32 $0x7FFFFFFF, v17;
	v28 =	vld [tilespmem:s21+$0xFFFFFF70];
	v23 =	vadd.f32 v31, v23;
	v10 =	vadd.f32 v10, v27  }
0x63: {  	v52 =	vld [tilespmem:s21+$0x120];
	v31 =	vsub.f32 v15, v32;
	v32 =	vsub.f32 v5, v50;
	v27 =	vperm.xlane v6, v2  }
0x64: {  	v54 =	vld [tilespmem:s21+$0x90];
	v50 =	vsub.f32 v9, v58;
	v23 =	vadd.f32 v33, v23;
	v51 =	vperm.xlane v10, v1  }
0x65: {  	v62 =	vld [tilespmem:s21+$0x10];
	v18 =	vand.u32 $0x7FFFFFFF, v18;
	v33 =	vsub.f32 v5, v53;
	v6 =	vadd.f32 v6, v27  }
0x66: {  	v21 =	vand.u32 $0x7FFFFFFF, v21;
	v18 =	vadd.f32 v18, v23;
	v10 =	vadd.f32 v10, v51  }
0x67: {  	v24 =	vand.u32 $0x7FFFFFFF, v24;
	v27 =	vsub.f32 v19, v28;
	v28 =	vsub.f32 v16, v34  }
0x68: {  	v13 =	vld [tilespmem:s21+$0xC0];
	v34 =	vsub.f32 v4, v52;
	v18 =	vadd.f32 v24, v18;
	v24 =	vperm.xlane v10, v2  }
0x69: {  	v49 =	vld [tilespmem:s21+$0x20];
	v61 =	vand.u32 $0x7FFFFFFF, v39;
	v23 =	vsub.f32 v15, v35;
	v35 =	vsub.f32 v7, v54  }
0x6a: {  	v56 =	vld [tilespmem:s21+$0xFFFFFF40];
	v52 =	vsub.f32 v7, v62;
	v10 =	vadd.f32 v10, v24;
	v24 =	vand.u32 $0x7FFFFFFF, v32  }
0x6b: {  	v53 =	vld [tilespmem:s21+$0xFFFFFE60];
	v33 =	vand.u32 $0x7FFFFFFF, v33;
	v35 =	vand.u32 $0x7FFFFFFF, v35;
	v24 =	vadd.f32 v55, v24  }
0x6c: {  	v34 =	vand.u32 $0x7FFFFFFF, v34;
	v33 =	vadd.f32 v35, v33;
	v18 =	vadd.f32 v21, v18;
	v21 =	vld [tilespmem:s21+$0xFFFFFF60]  }
0x6d: {  	v14 =	vand.u32 $0x7FFFFFFF, v14;
	v13 =	vsub.f32 v9, v13;
	v24 =	vadd.f32 v34, v24  }
0x6e: {  	v20 =	vand.u32 $0x7FFFFFFF, v20;
	v35 =	vld [tilespmem:s21+$0xFFFFFF20];
	v33 =	vadd.f32 v61, v33;
	v55 =	vsub.f32 v4, v49  }
0x6f: {  	v22 =	vand.u32 $0x7FFFFFFF, v22;
	v49 =	vsub.f32 v9, v56;
	v24 =	vadd.f32 v57, v24  }
0x70: {  	v60 =	vld [tilespmem:s21+$0x0];
	v25 =	vand.u32 $0x7FFFFFFF, v25;
	v12 =	vadd.f32 v12, v18;
	v34 =	vsub.f32 v16, v53  }
0x71: {  	v18 =	vld [tilespmem:s21+$0xFFFFFFD0];
	v63 =	vsub.f32 v16, v21;
	v21 =	vand.u32 $0x7FFFFFFF, v37;
	v24 =	vadd.f32 v25, v24  }
0x72: {  	v59 =	vperm.xlane v12, v0;
	v21 =	vadd.f32 v21, v33;
	v25 =	vand.u32 $0x7FFFFFFF, v29  }
0x73: {  	v40 =	vld [tilespmem:s21+$0xFFFFFE70];
	v13 =	vand.u32 $0x7FFFFFFF, v13;
	v35 =	vsub.f32 v4, v35;
	v24 =	vadd.f32 v25, v24  }
0x74: {  	v31 =	vand.u32 $0x7FFFFFFF, v31;
	v51 =	vld [tilespmem:s21+$0x30];
	v12 =	vadd.f32 v12, v59;
	v13 =	vadd.f32 v13, v21  }
0x75: {  	v54 =	vld [tilespmem:s21+$0xFFFFFED0];
	v33 =	vand.u32 $0x7FFFFFFF, v50;
	v20 =	vadd.f32 v20, v24;
	v24 =	vsub.f32 v5, v60  }
0x76: {  	v41 =	vld [tilespmem:s21+$0xFFFFFEE0];
	v59 =	vsub.f32 v15, v18;
	v48 =	vperm.xlane v12, v1;
	v31 =	vadd.f32 v31, v13  }
0x77: {  	v43 =	vld [tilespmem:s21+$0xFFFFFEC0];
	v17 =	vadd.f32 v17, v20;
	v20 =	vand.u32 $0x7FFFFFFF, v24;
	v24 =	vand.u32 $0x7FFFFFFF, v52  }
0x78: {  	v45 =	vld [tilespmem:s21+$0xFFFFFF30];
	v12 =	vadd.f32 v12, v48;
	v13 =	vand.u32 $0x7FFFFFFF, v30;
	v20 =	vadd.f32 v24, v20  }
0x79: {  	v42 =	vld [tilespmem:s21+$0xFFFFFDE0];
	v30 =	vand.u32 $0x7FFFFFFF, v55;
	v22 =	vadd.f32 v22, v31;
	v31 =	vsub.f32 v8, v51  }
0x7a: {  	v46 =	vld [tilespmem:s21+$0xFFFFFE40];
	v48 =	vsub.f32 v15, v54;
	v57 =	vperm.xlane v17, v0;
	v20 =	vadd.f32 v30, v20  }
0x7b: {  	v38 =	vld [tilespmem:s21+$0xFFFFFE20];
	v14 =	vadd.f32 v14, v22;
	v30 =	vand.u32 $0x7FFFFFFF, v11;
	v11 =	vand.u32 $0x7FFFFFFF, v31  }
0x7c: {  	v29 =	vld [tilespmem:s21+$0xFFFFFF50];
	v22 =	vadd.f32 v17, v57;
	v17 =	vperm.xlane v12, v2;
	v18 =	vadd.f32 v11, v20  }
0x7d: {  	v39 =	vld [tilespmem:s21+$0xFFFFFE80];
	v54 =	vsub.f32 v9, v43;
	v43 =	vsub.f32 v8, v45;
	v20 =	vperm.xlane v14, v0  }
0x7e: {  	v25 =	vld [tilespmem:s21+$0xFFFFFFC0];
	v11 =	vadd.f32 v12, v17;
	v12 =	vadd.f32 v33, v18  }
0x7f: {  	v24 =	vld [tilespmem:s21+$0xFFFFFFB0];
	v44 =	vperm.xlane v22, v1;
	v14 =	vadd.f32 v14, v20;
	v20 =	vand.u32 $0x7FFFFFFF, v23  }
0x80: {  	v26 =	vand.u32 $0x7FFFFFFF, v26;
	v58 =	vld [tilespmem:s21+$0xFFFFFD70];
	v60 =	vsub.f32 v16, v41;
	v12 =	vadd.f32 v20, v12  }
0x81: {  	v21 =	vld [tilespmem:s21+$0xFFFFFDF0];
	v29 =	vsub.f32 v15, v29;
	v23 =	vadd.f32 v22, v44;
	v22 =	vperm.xlane v14, v1  }
0x82: {  	v61 =	vld [tilespmem:s21+$0xFFFFFF90];
	v51 =	vand.u32 $0x7FFFFFFF, v59;
	v20 =	vand.u32 $0x7FFFFFFF, v28;
	v28 =	vadd.f32 v30, v12  }
0x83: {  	v41 =	vsub.f32 v9, v25;
	v31 =	vld [tilespmem:s21+$0xFFFFFE50];
	v25 =	vperm.xlane v23, v2;
	v14 =	vadd.f32 v14, v22  }
0x84: {  	v17 =	vand.u32 $0x7FFFFFFF, v27;
	v50 =	vsub.f32 v8, v24;
	v30 =	vld [tilespmem:s21+$0xFFFFFF80];
	v28 =	vadd.f32 v26, v28  }
0x85: {  	v27 =	vld [tilespmem:s21+$0xFFFFFFA0];
	v18 =	vsub.f32 v19, v40;
	v12 =	vadd.f32 v23, v25;
	v25 =	vperm.xlane v14, v2  }
0x86: {  	v22 =	vsub.f32 v19, v21;
	v23 =	vand.u32 $0x7FFFFFFF, v63;
	v63 =	vld [tilespmem:s21+$0xFFFFFF10];
	v62 =	vperm.xlane v28, v0  }
0x87: {  	v32 =	vand.u32 $0x7FFFFFFF, v29;
	v14 =	vadd.f32 v14, v25;
	v25 =	vsub.f32 v19, v58;
	v19 =	vld [tilespmem:s21+$0xFFFFFF00]  }
0x88: {  	v56 =	vld [tilespmem:s21+$0xFFFFFEA0];
	v24 =	vand.u32 $0x7FFFFFFF, v60;
	v31 =	vsub.f32 v15, v31;
	v28 =	vadd.f32 v28, v62  }
0x89: {  	v53 =	vld [tilespmem:s21+$0xFFFFFDC0];
	v57 =	vand.u32 $0x7FFFFFFF, v50;
	v21 =	vand.u32 $0x7FFFFFFF, v36;
	v29 =	vsub.f32 v5, v30  }
0x8a: {  	v37 =	vld [tilespmem:s21+$0xFFFFFDB0];
	v26 =	vsub.f32 v16, v42;
	v30 =	vsub.f32 v7, v61;
	v60 =	vperm.xlane v28, v1  }
0x8b: {  	v55 =	vld [tilespmem:s21+$0xFFFFFE30];
	v61 =	vsub.f32 v4, v27;
	v62 =	vsub.f32 v7, v63;
	v29 =	vand.u32 $0x7FFFFFFF, v29  }
0x8c: {  	v33 =	vld [tilespmem:s21+$0xFFFFFD60];
	v30 =	vand.u32 $0x7FFFFFFF, v30;
	v19 =	vsub.f32 v5, v19;
	v28 =	vadd.f32 v28, v60  }
0x8d: {  	v52 =	vld [tilespmem:s21+$0xFFFFFD50];
	v27 =	vand.u32 $0x7FFFFFFF, v34;
	v63 =	vand.u32 $0x7FFFFFFF, v61;
	v29 =	vadd.f32 v30, v29  }
0x8e: {  	v44 =	vld [tilespmem:s21+$0xFFFFFDD0];
	v34 =	vand.u32 $0x7FFFFFFF, v62;
	v19 =	vand.u32 $0x7FFFFFFF, v19;
	v45 =	vperm.xlane v28, v2  }
0x8f: {  	v40 =	vld [tilespmem:s21+$0xFFFFFE90];
	v58 =	vand.u32 $0x7FFFFFFF, v35;
	v29 =	vadd.f32 v63, v29;
	v34 =	vadd.f32 v34, v19  }
0x90: {  	v36 =	vld [tilespmem:s21+$0xFFFFFD40];
	v61 =	vand.u32 $0x7FFFFFFF, v43;
	v60 =	vsub.f32 v9, v46;
	v19 =	vadd.f32 v28, v45  }
0x91: {  	v42 =	vld [tilespmem:s21+$0xFFFFFDA0];
	v30 =	vand.u32 $0x7FFFFFFF, v41;
	v28 =	vsub.f32 v16, v33;
	v33 =	vadd.f32 v58, v34  }
0x92: {  	v43 =	vld [tilespmem:s21+$0xFFFFFE00];
	v63 =	vand.u32 $0x7FFFFFFF, v49;
	v49 =	vsub.f32 v8, v55;
	v59 =	vadd.f32 v57, v29  }
0x93: {  	v41 =	vld [tilespmem:s21+$0xFFFFFD30];
	v29 =	vsub.f32 v15, v44;
	v16 =	vand.u32 $0x7FFFFFFF, v48;
	v62 =	vadd.f32 v61, v33  }
0x94: {  	v46 =	vld [tilespmem:s21+$0xFFFFFD00];
	v35 =	vadd.f32 v30, v59;
	v30 =	vand.u32 $0x7FFFFFFF, v31;
	v48 =	vsub.f32 v4, v56  }
0x95: {  	v44 =	vld [tilespmem:s21+$0xFFFFFD80];
	v31 =	vand.u32 $0x7FFFFFFF, v54;
	v33 =	vsub.f32 v15, v52;
	v50 =	vadd.f32 v63, v62  }
0x96: {  	s22 =	simm.s32 $0x200;
	v45 =	vld [tilespmem:s21+$0xFFFFFE10];
	v34 =	vand.u32 $0x7FFFFFFF, v60;
	v15 =	vadd.f32 v51, v35;
	v35 =	vsub.f32 v9, v53  }
.LBB2_3:
0x97: {  	p0 =	sne.s32 s22, $0x3E00;
	v51 =	vld [tilespmem:s21+$0xFFFFFD10];
	v9 =	vsub.f32 v9, v36;
	v36 =	vand.u32 $0x7FFFFFFF, v47;
	v32 =	vadd.f32 v32, v50  }
0x98: {  	v37 =	vsub.f32 v8, v37;
	v38 =	vsub.f32 v4, v38;
	v47 =	vld [tilespmem:s21+$0xFFFFFD90];
	v49 =	vand.u32 $0x7FFFFFFF, v49  }
0x99: {  	v39 =	vsub.f32 v5, v39;
	v40 =	vsub.f32 v7, v40;
	v48 =	vand.u32 $0x7FFFFFFF, v48;
	v50 =	vld [tilespmem:s21+$0xFFFFFD20]  }
0x9a: {  	v8 =	vsub.f32 v8, v41;
	v41 =	vsub.f32 v4, v42;
	v38 =	vand.u32 $0x7FFFFFFF, v38  }
0x9b: {  	v42 =	vsub.f32 v5, v43;
	v43 =	vsub.f32 v7, v45;
	v39 =	vand.u32 $0x7FFFFFFF, v39  }
0x9c: {  	v40 =	vand.u32 $0x7FFFFFFF, v40;
	v45 =	vsub.f32 v5, v46;
	v46 =	vsub.f32 v7, v51  }
0x9d: {  	v42 =	vand.u32 $0x7FFFFFFF, v42;
	v5 =	vsub.f32 v5, v44;
	v7 =	vsub.f32 v7, v47  }
0x9e: {  	v44 =	vand.u32 $0x7FFFFFFF, v45;
	v45 =	vand.u32 $0x7FFFFFFF, v46;
	v4 =	vsub.f32 v4, v50  }
0x9f: {  	v5 =	vand.u32 $0x7FFFFFFF, v5;
	v44 =	vadd.f32 v45, v44;
	v7 =	vand.u32 $0x7FFFFFFF, v7  }
0xa0: {  	v4 =	vand.u32 $0x7FFFFFFF, v4;
	v5 =	vadd.f32 v7, v5;
	v7 =	vand.u32 $0x7FFFFFFF, v43  }
0xa1: {  	v41 =	vand.u32 $0x7FFFFFFF, v41;
	v4 =	vadd.f32 v4, v44;
	v7 =	vadd.f32 v7, v42  }
0xa2: {  	v8 =	vand.u32 $0x7FFFFFFF, v8;
	v39 =	vadd.f32 v40, v39;
	v5 =	vadd.f32 v41, v5  }
0xa3: {  	v4 =	vadd.f32 v8, v4;
	v8 =	vand.u32 $0x7FFFFFFF, v37;
	v7 =	vadd.f32 v38, v7  }
0xa4: {  	v9 =	vand.u32 $0x7FFFFFFF, v9;
	v5 =	vadd.f32 v8, v5;
	v8 =	vadd.f32 v48, v39  }
0xa5: {  	v4 =	vadd.f32 v9, v4;
	v9 =	vand.u32 $0x7FFFFFFF, v35;
	v7 =	vadd.f32 v49, v7  }
0xa6: {  	v33 =	vand.u32 $0x7FFFFFFF, v33;
	v5 =	vadd.f32 v9, v5;
	v8 =	vadd.f32 v36, v8  }
0xa7: {  	v9 =	vand.u32 $0x7FFFFFFF, v29;
	v4 =	vadd.f32 v33, v4;
	v7 =	vadd.f32 v34, v7  }
0xa8: {  	v28 =	vand.u32 $0x7FFFFFFF, v28;
	v5 =	vadd.f32 v9, v5;
	v8 =	vadd.f32 v31, v8  }
0xa9: {  	v9 =	vand.u32 $0x7FFFFFFF, v26;
	v4 =	vadd.f32 v28, v4;
	v7 =	vadd.f32 v30, v7  }
0xaa: {  	v25 =	vand.u32 $0x7FFFFFFF, v25;
	v5 =	vadd.f32 v9, v5;
	v8 =	vadd.f32 v16, v8  }
0xab: {  	v9 =	vand.u32 $0x7FFFFFFF, v22;
	v4 =	vadd.f32 v25, v4;
	v7 =	vadd.f32 v27, v7  }
0xac: {  	v5 =	vadd.f32 v9, v5;
	v9 =	vand.u32 $0x7FFFFFFF, v18;
	v8 =	vadd.f32 v24, v8  }
0xad: {  	v16 =	vperm.xlane v4, v0;
	v7 =	vadd.f32 v9, v7;
	v9 =	vadd.f32 v23, v32  }
0xae: {  	v15 =	vadd.f32 v20, v15;
	v18 =	vperm.xlane v5, v0;
	v8 =	vadd.f32 v21, v8  }
0xaf: {  	v4 =	vadd.f32 v4, v16;
	v16 =	vperm.xlane v7, v0;
	v9 =	vadd.f32 v17, v9  }
0xb0: {  	v13 =	vadd.f32 v13, v15;
	v5 =	vadd.f32 v5, v18;
	v17 =	vperm.xlane v8, v0  }
0xb1: {  	v15 =	vperm.xlane v4, v1;
	v7 =	vadd.f32 v7, v16;
	v16 =	vperm.xlane v9, v0  }
0xb2: {  	v18 =	vperm.xlane v5, v1;
	v8 =	vadd.f32 v8, v17;
	v17 =	vperm.xlane v13, v0  }
0xb3: {  	v4 =	vadd.f32 v4, v15;
	v15 =	vperm.xlane v7, v1;
	v9 =	vadd.f32 v9, v16  }
0xb4: {  	v5 =	vadd.f32 v5, v18;
	v16 =	vperm.xlane v8, v1;
	v13 =	vadd.f32 v13, v17  }
0xb5: {  	v17 =	vperm.xlane v4, v2;
	v7 =	vadd.f32 v7, v15;
	v15 =	vperm.xlane v9, v1  }
0xb6: {  	v18 =	vperm.xlane v5, v2;
	v8 =	vadd.f32 v8, v16;
	v16 =	vperm.xlane v13, v1  }
0xb7: {  	v4 =	vadd.f32 v4, v17;
	v17 =	vperm.xlane v7, v2;
	v9 =	vadd.f32 v9, v15  }
0xb8: {  	v5 =	vadd.f32 v5, v18;
	v15 =	vperm.xlane v8, v2;
	v13 =	vadd.f32 v13, v16  }
0xb9: {  	v16 =	vperm.xlane v4, v3;
	v7 =	vadd.f32 v7, v17;
	v17 =	vperm.xlane v9, v2  }
0xba: {  	v18 =	vperm.xlane v5, v3;
	v8 =	vadd.f32 v8, v15;
	v15 =	vperm.xlane v13, v2  }
0xbb: {  	v4 =	vadd.f32 v4, v16;
	v16 =	vperm.xlane v7, v3;
	v9 =	vadd.f32 v9, v17  }
0xbc: {  	v5 =	vadd.f32 v5, v18;
	v17 =	vperm.xlane v8, v3;
	v13 =	vadd.f32 v13, v15  }
0xbd: {  	v4 =	vnsel vm0, $0x0, v4;
	v7 =	vadd.f32 v7, v16;
	v15 =	vperm.xlane v9, v3  }
0xbe: {  	v4 =	vsel vm1, v4, v5;
	v5 =	vadd.f32 v8, v17;
	v8 =	vperm.xlane v13, v3  }
0xbf: {  	v4 =	vsel vm2, v4, v7;
	v7 =	vadd.f32 v9, v15;
	v9 =	vperm.xlane v19, v3  }
0xc0: {  	v4 =	vsel vm3, v4, v5;
	v5 =	vadd.f32 v13, v8;
	v8 =	vperm.xlane v14, v3  }
0xc1: {  	s23 =	sshra.s32 s22, $0x2;
	v4 =	vsel vm4, v4, v7;
	v7 =	vadd.f32 v19, v9;
	v9 =	vperm.xlane v12, v3  }
0xc2: {  	v19 =	vld [tilespmem:s23+$0xC1F0];
	v4 =	vsel vm5, v4, v5;
	v5 =	vadd.f32 v14, v8;
	v8 =	vperm.xlane v11, v3  }
0xc3: {  	v16 =	vld [tilespmem:s23+$0xC1E0];
	v4 =	vsel vm6, v4, v7;
	v7 =	vadd.f32 v12, v9;
	v12 =	vperm.xlane v10, v3  }
0xc4: {  	v15 =	vld [tilespmem:s23+$0xC1D0];
	v4 =	vsel vm7, v4, v5;
	v5 =	vadd.f32 v11, v8;
	v11 =	vperm.xlane v6, v3  }
0xc5: {  	v9 =	vld [tilespmem:s23+$0xC1C0];
	v4 =	vsel vm8, v4, v7;
	v7 =	vadd.f32 v10, v12  }
0xc6: {  	v8 =	vld [tilespmem:s23+$0xC1B0];
	v5 =	vsel vm9, v4, v5;
	v6 =	vadd.f32 v6, v11  }
0xc7: {  	v4 =	vld [tilespmem:s23+$0xC1A0];
	v7 =	vsel vm10, v5, v7  }
0xc8: {  	v5 =	vld [tilespmem:s23+$0xC180];
	v6 =	vsel vm11, v7, v6  }
0xc9: {  	s21 =	sadd.s32 $0x600, s21;
	v7 =	vld [tilespmem:s23+$0xC190];
	[tilespmem:s20+$0xD180] =	vst v6;
	s20 =	smov.u32 s23  }
0xca: {  	v6 =	vld [tilespmem:s21+$0x2F0]  }
0xcb: {  	v10 =	vld [tilespmem:s21+$0x270]  }
0xcc: {  	v11 =	vld [tilespmem:s21+$0x2E0]  }
0xcd: {  	v12 =	vld [tilespmem:s21+$0x1F0]  }
0xce: {  	v13 =	vld [tilespmem:s21+$0x260]  }
0xcf: {  	v14 =	vld [tilespmem:s21+$0x2D0]  }
0xd0: {  	v17 =	vld [tilespmem:s21+$0x170]  }
0xd1: {  	v18 =	vld [tilespmem:s21+$0x280]  }
0xd2: {  	v20 =	vld [tilespmem:s21+$0x290]  }
0xd3: {  	v21 =	vld [tilespmem:s21+$0x1E0]  }
0xd4: {  	v22 =	vld [tilespmem:s21+$0x2A0]  }
0xd5: {  	v23 =	vld [tilespmem:s21+$0x2C0]  }
0xd6: {  	v6 =	vsub.f32 v19, v6;
	v10 =	vsub.f32 v19, v10;
	v24 =	vld [tilespmem:s21+$0x2B0]  }
0xd7: {  	v18 =	vsub.f32 v5, v18;
	v25 =	vld [tilespmem:s21+$0x200];
	v20 =	vsub.f32 v7, v20  }
0xd8: {  	v11 =	vsub.f32 v16, v11;
	v12 =	vsub.f32 v19, v12;
	v26 =	vld [tilespmem:s21+$0x210]  }
0xd9: {  	v18 =	vand.u32 $0x7FFFFFFF, v18;
	v27 =	vld [tilespmem:s21+$0x250];
	v20 =	vand.u32 $0x7FFFFFFF, v20;
	v22 =	vsub.f32 v4, v22  }
0xda: {  	v29 =	vsub.f32 v16, v13;
	v28 =	vld [tilespmem:s21+$0x220];
	v13 =	vadd.f32 v20, v18  }
0xdb: {  	v14 =	vsub.f32 v15, v14;
	v18 =	vld [tilespmem:s21+$0xF0];
	v20 =	vand.u32 $0x7FFFFFFF, v22;
	v22 =	vsub.f32 v8, v24  }
0xdc: {  	v24 =	vld [tilespmem:s21+$0x230];
	v13 =	vadd.f32 v20, v13;
	v20 =	vsub.f32 v9, v23  }
0xdd: {  	v25 =	vsub.f32 v5, v25;
	v23 =	vld [tilespmem:s21+$0x160];
	v26 =	vsub.f32 v7, v26;
	v22 =	vand.u32 $0x7FFFFFFF, v22  }
0xde: {  	v30 =	vsub.f32 v19, v17;
	v17 =	vld [tilespmem:s21+$0x240];
	v13 =	vadd.f32 v22, v13;
	v20 =	vand.u32 $0x7FFFFFFF, v20  }
0xdf: {  	v25 =	vand.u32 $0x7FFFFFFF, v25;
	v22 =	vld [tilespmem:s21+$0x1D0];
	v26 =	vand.u32 $0x7FFFFFFF, v26;
	v28 =	vsub.f32 v4, v28  }
0xe0: {  	v14 =	vand.u32 $0x7FFFFFFF, v14;
	v31 =	vld [tilespmem:s21+$0x70];
	v25 =	vadd.f32 v26, v25;
	v13 =	vadd.f32 v20, v13  }
0xe1: {  	v26 =	vsub.f32 v16, v21;
	v20 =	vld [tilespmem:s21+$0xE0];
	v21 =	vand.u32 $0x7FFFFFFF, v28;
	v24 =	vsub.f32 v8, v24  }
0xe2: {  	v11 =	vand.u32 $0x7FFFFFFF, v11;
	v28 =	vld [tilespmem:s21+$0x150];
	v21 =	vadd.f32 v21, v25;
	v13 =	vadd.f32 v14, v13  }
0xe3: {  	v25 =	vld [tilespmem:s21+$0x1C0];
	v14 =	vand.u32 $0x7FFFFFFF, v24;
	v17 =	vsub.f32 v9, v17;
	v24 =	vsub.f32 v15, v27  }
0xe4: {  	v6 =	vand.u32 $0x7FFFFFFF, v6;
	v27 =	vld [tilespmem:s21+$0xFFFFFFF0];
	v14 =	vadd.f32 v14, v21;
	v11 =	vadd.f32 v11, v13  }
0xe5: {  	v32 =	vsub.f32 v19, v18;
	v13 =	vsub.f32 v16, v23;
	v18 =	vld [tilespmem:s21+$0x180];
	v17 =	vand.u32 $0x7FFFFFFF, v17  }
0xe6: {  	v21 =	vld [tilespmem:s21+$0x190];
	v17 =	vadd.f32 v17, v14;
	v6 =	vadd.f32 v6, v11  }
0xe7: {  	v22 =	vsub.f32 v15, v22;
	v24 =	vand.u32 $0x7FFFFFFF, v24;
	v14 =	vsub.f32 v19, v31;
	v23 =	vld [tilespmem:s21+$0x60]  }
0xe8: {  	v11 =	vsub.f32 v16, v20;
	v20 =	vld [tilespmem:s21+$0x1A0];
	v17 =	vadd.f32 v24, v17;
	v24 =	vperm.xlane v6, v0  }
0xe9: {  	v29 =	vand.u32 $0x7FFFFFFF, v29;
	v28 =	vsub.f32 v15, v28;
	v25 =	vsub.f32 v9, v25;
	v31 =	vld [tilespmem:s21+$0xD0]  }
0xea: {  	v10 =	vand.u32 $0x7FFFFFFF, v10;
	v33 =	vld [tilespmem:s21+$0x1B0];
	v29 =	vadd.f32 v29, v17;
	v6 =	vadd.f32 v6, v24  }
0xeb: {  	v34 =	vand.u32 $0x7FFFFFFF, v12;
	v18 =	vsub.f32 v5, v18;
	v24 =	vld [tilespmem:s21+$0x140];
	v21 =	vsub.f32 v7, v21  }
0xec: {  	v17 =	vsub.f32 v19, v27;
	v12 =	vld [tilespmem:s21+$0xFFFFFF70];
	v10 =	vadd.f32 v10, v29;
	v27 =	vperm.xlane v6, v1  }
0xed: {  	v18 =	vand.u32 $0x7FFFFFFF, v18;
	v29 =	vld [tilespmem:s21+$0xFFFFFFE0];
	v21 =	vand.u32 $0x7FFFFFFF, v21;
	v20 =	vsub.f32 v4, v20  }
0xee: {  	v35 =	vld [tilespmem:s21+$0x50];
	v21 =	vadd.f32 v21, v18;
	v36 =	vperm.xlane v10, v0;
	v6 =	vadd.f32 v6, v27  }
0xef: {  	v18 =	vsub.f32 v16, v23;
	v23 =	vld [tilespmem:s21+$0xC0];
	v20 =	vand.u32 $0x7FFFFFFF, v20;
	v27 =	vsub.f32 v8, v33  }
0xf0: {  	v33 =	vld [tilespmem:s21+$0x130];
	v20 =	vadd.f32 v20, v21;
	v10 =	vadd.f32 v10, v36;
	v21 =	vperm.xlane v6, v2  }
0xf1: {  	v31 =	vsub.f32 v15, v31;
	v24 =	vsub.f32 v9, v24;
	v36 =	vld [tilespmem:s21+$0x100];
	v27 =	vand.u32 $0x7FFFFFFF, v27  }
0xf2: {  	v37 =	vld [tilespmem:s21+$0x110];
	v27 =	vadd.f32 v27, v20;
	v38 =	vperm.xlane v10, v1;
	v6 =	vadd.f32 v6, v21  }
0xf3: {  	v20 =	vsub.f32 v19, v12;
	v12 =	vsub.f32 v16, v29;
	v21 =	vand.u32 $0x7FFFFFFF, v25  }
0xf4: {  	v29 =	vand.u32 $0x7FFFFFFF, v30;
	v25 =	vld [tilespmem:s21+$0x120];
	v27 =	vadd.f32 v21, v27;
	v10 =	vadd.f32 v10, v38  }
0xf5: {  	v22 =	vand.u32 $0x7FFFFFFF, v22;
	v21 =	vsub.f32 v15, v35;
	v23 =	vsub.f32 v9, v23;
	v30 =	vld [tilespmem:s21+$0x80]  }
0xf6: {  	v33 =	vsub.f32 v8, v33;
	v35 =	vld [tilespmem:s21+$0x90];
	v22 =	vadd.f32 v22, v27;
	v27 =	vperm.xlane v10, v2  }
0xf7: {  	v26 =	vand.u32 $0x7FFFFFFF, v26;
	v36 =	vsub.f32 v5, v36;
	v38 =	vld [tilespmem:s21+$0xFFFFFEF0];
	v37 =	vsub.f32 v7, v37  }
0xf8: {  	v32 =	vand.u32 $0x7FFFFFFF, v32;
	v39 =	vld [tilespmem:s21+$0xA0];
	v22 =	vadd.f32 v26, v22;
	v10 =	vadd.f32 v10, v27  }
0xf9: {  	v27 =	vand.u32 $0x7FFFFFFF, v36;
	v26 =	vld [tilespmem:s21+$0xFFFFFF60];
	v36 =	vand.u32 $0x7FFFFFFF, v37;
	v25 =	vsub.f32 v4, v25  }
0xfa: {  	v33 =	vand.u32 $0x7FFFFFFF, v33;
	v37 =	vld [tilespmem:s21+$0xB0];
	v27 =	vadd.f32 v36, v27;
	v22 =	vadd.f32 v34, v22  }
0xfb: {  	v30 =	vsub.f32 v5, v30;
	v34 =	vld [tilespmem:s21+$0xFFFFFFD0];
	v35 =	vsub.f32 v7, v35;
	v25 =	vand.u32 $0x7FFFFFFF, v25  }
0xfc: {  	v36 =	vsub.f32 v19, v38;
	v38 =	vld [tilespmem:s21+$0x40];
	v25 =	vadd.f32 v25, v27;
	v27 =	vperm.xlane v22, v0  }
0xfd: {  	v30 =	vand.u32 $0x7FFFFFFF, v30;
	v40 =	vld [tilespmem:s21+$0xFFFFFE70];
	v35 =	vand.u32 $0x7FFFFFFF, v35;
	v39 =	vsub.f32 v4, v39  }
0xfe: {  	v24 =	vand.u32 $0x7FFFFFFF, v24;
	v41 =	vld [tilespmem:s21+$0xFFFFFEE0];
	v30 =	vadd.f32 v35, v30;
	v25 =	vadd.f32 v33, v25  }
0xff: {  	v22 =	vadd.f32 v22, v27;
	v33 =	vld [tilespmem:s21+$0x0];
	v35 =	vand.u32 $0x7FFFFFFF, v39;
	v37 =	vsub.f32 v8, v37  }
0x100: {  	v27 =	vld [tilespmem:s21+$0x10];
	v30 =	vadd.f32 v35, v30;
	v24 =	vadd.f32 v24, v25;
	v25 =	vand.u32 $0x7FFFFFFF, v28  }
0x101: {  	v26 =	vsub.f32 v16, v26;
	v28 =	vld [tilespmem:s21+$0xFFFFFF50];
	v35 =	vand.u32 $0x7FFFFFFF, v37;
	v37 =	vperm.xlane v22, v1  }
0x102: {  	v13 =	vand.u32 $0x7FFFFFFF, v13;
	v39 =	vld [tilespmem:s21+$0x20];
	v30 =	vadd.f32 v35, v30;
	v24 =	vadd.f32 v25, v24  }
0x103: {  	v23 =	vand.u32 $0x7FFFFFFF, v23;
	v35 =	vsub.f32 v9, v38;
	v25 =	vld [tilespmem:s21+$0xFFFFFFC0];
	v22 =	vadd.f32 v22, v37  }
0x104: {  	v14 =	vand.u32 $0x7FFFFFFF, v14;
	v37 =	vld [tilespmem:s21+$0x30];
	v23 =	vadd.f32 v23, v30;
	v13 =	vadd.f32 v13, v24  }
0x105: {  	v31 =	vand.u32 $0x7FFFFFFF, v31;
	v30 =	vsub.f32 v5, v33;
	v24 =	vld [tilespmem:s21+$0xFFFFFDF0];
	v27 =	vsub.f32 v7, v27  }
0x106: {  	v11 =	vand.u32 $0x7FFFFFFF, v11;
	v33 =	vld [tilespmem:s21+$0xFFFFFE60];
	v23 =	vadd.f32 v31, v23;
	v29 =	vadd.f32 v29, v13  }
0x107: {  	v30 =	vand.u32 $0x7FFFFFFF, v30;
	v31 =	vld [tilespmem:s21+$0xFFFFFED0];
	v27 =	vand.u32 $0x7FFFFFFF, v27;
	v38 =	vsub.f32 v4, v39  }
0x108: {  	v13 =	vand.u32 $0x7FFFFFFF, v17;
	v39 =	vld [tilespmem:s21+$0xFFFFFF40];
	v17 =	vadd.f32 v27, v30;
	v11 =	vadd.f32 v11, v23  }
0x109: {  	v27 =	vld [tilespmem:s21+$0xFFFFFFB0];
	v23 =	vand.u32 $0x7FFFFFFF, v38;
	v30 =	vsub.f32 v8, v37;
	v37 =	vperm.xlane v29, v0  }
0x10a: {  	v38 =	vld [tilespmem:s21+$0xFFFFFD70];
	v17 =	vadd.f32 v23, v17;
	v23 =	vand.u32 $0x7FFFFFFF, v18;
	v18 =	vadd.f32 v32, v11  }
0x10b: {  	v32 =	vld [tilespmem:s21+$0xFFFFFDE0];
	v11 =	vand.u32 $0x7FFFFFFF, v30;
	v29 =	vadd.f32 v29, v37;
	v30 =	vperm.xlane v22, v2  }
0x10c: {  	v34 =	vsub.f32 v15, v34;
	v37 =	vld [tilespmem:s21+$0xFFFFFE50];
	v42 =	vadd.f32 v11, v17;
	v43 =	vperm.xlane v18, v0  }
0x10d: {  	v35 =	vand.u32 $0x7FFFFFFF, v35;
	v44 =	vld [tilespmem:s21+$0xFFFFFEC0];
	v45 =	vperm.xlane v29, v1;
	v11 =	vadd.f32 v22, v30  }
0x10e: {  	v17 =	vand.u32 $0x7FFFFFFF, v20;
	v30 =	vld [tilespmem:s21+$0xFFFFFF30];
	v20 =	vadd.f32 v35, v42;
	v22 =	vadd.f32 v18, v43  }
0x10f: {  	v21 =	vand.u32 $0x7FFFFFFF, v21;
	v18 =	vsub.f32 v19, v40;
	v35 =	vld [tilespmem:s21+$0xFFFFFFA0];
	v29 =	vadd.f32 v29, v45  }
0x110: {  	v41 =	vsub.f32 v16, v41;
	v40 =	vld [tilespmem:s21+$0xFFFFFD60];
	v21 =	vadd.f32 v21, v20;
	v42 =	vperm.xlane v22, v1  }
0x111: {  	v28 =	vsub.f32 v15, v28;
	v45 =	vsub.f32 v9, v25;
	v43 =	vld [tilespmem:s21+$0xFFFFFDD0];
	v25 =	vperm.xlane v29, v2  }
0x112: {  	v20 =	vand.u32 $0x7FFFFFFF, v12;
	v46 =	vld [tilespmem:s21+$0xFFFFFE40];
	v23 =	vadd.f32 v23, v21;
	v42 =	vadd.f32 v22, v42  }
0x113: {  	v22 =	vsub.f32 v19, v24;
	v21 =	vand.u32 $0x7FFFFFFF, v36;
	v36 =	vld [tilespmem:s21+$0xFFFFFF80];
	v12 =	vadd.f32 v29, v25  }
0x114: {  	v29 =	vsub.f32 v16, v33;
	v33 =	vld [tilespmem:s21+$0xFFFFFF90];
	v47 =	vadd.f32 v14, v23;
	v14 =	vperm.xlane v42, v2  }
0x115: {  	v31 =	vsub.f32 v15, v31;
	v49 =	vsub.f32 v9, v39;
	v23 =	vand.u32 $0x7FFFFFFF, v26;
	v48 =	vld [tilespmem:s21+$0xFFFFFEB0]  }
0x116: {  	v50 =	vsub.f32 v8, v27;
	v39 =	vld [tilespmem:s21+$0xFFFFFF20];
	v27 =	vperm.xlane v47, v0;
	v14 =	vadd.f32 v42, v14  }
0x117: {  	v34 =	vand.u32 $0x7FFFFFFF, v34;
	v25 =	vsub.f32 v19, v38;
	v26 =	vsub.f32 v16, v32;
	v19 =	vld [tilespmem:s21+$0xFFFFFF00]  }
0x118: {  	v51 =	vsub.f32 v15, v37;
	v24 =	vand.u32 $0x7FFFFFFF, v41;
	v37 =	vld [tilespmem:s21+$0xFFFFFF10];
	v27 =	vadd.f32 v47, v27  }
0x119: {  	v32 =	vand.u32 $0x7FFFFFFF, v28;
	v28 =	vsub.f32 v5, v36;
	v52 =	vld [tilespmem:s21+$0xFFFFFD50];
	v33 =	vsub.f32 v7, v33  }
0x11a: {  	v54 =	vsub.f32 v9, v44;
	v30 =	vsub.f32 v8, v30;
	v53 =	vld [tilespmem:s21+$0xFFFFFDC0];
	v36 =	vperm.xlane v27, v1  }
0x11b: {  	v35 =	vsub.f32 v4, v35;
	v28 =	vand.u32 $0x7FFFFFFF, v28;
	v55 =	vld [tilespmem:s21+$0xFFFFFE30];
	v33 =	vand.u32 $0x7FFFFFFF, v33  }
0x11c: {  	v56 =	vld [tilespmem:s21+$0xFFFFFEA0];
	v28 =	vadd.f32 v33, v28;
	v33 =	vand.u32 $0x7FFFFFFF, v45;
	v41 =	vadd.f32 v27, v36  }
0x11d: {  	v27 =	vand.u32 $0x7FFFFFFF, v29;
	v19 =	vsub.f32 v5, v19;
	v36 =	vld [tilespmem:s21+$0xFFFFFD40];
	v29 =	vsub.f32 v7, v37  }
0x11e: {  	v35 =	vand.u32 $0x7FFFFFFF, v35;
	v42 =	vsub.f32 v4, v39;
	v37 =	vld [tilespmem:s21+$0xFFFFFDB0];
	v44 =	vperm.xlane v41, v2  }
0x11f: {  	v19 =	vand.u32 $0x7FFFFFFF, v19;
	v35 =	vadd.f32 v35, v28;
	v38 =	vld [tilespmem:s21+$0xFFFFFE20];
	v29 =	vand.u32 $0x7FFFFFFF, v29  }
0x120: {  	v39 =	vld [tilespmem:s21+$0xFFFFFE80];
	v45 =	vadd.f32 v29, v19;
	v29 =	vand.u32 $0x7FFFFFFF, v50;
	v19 =	vadd.f32 v41, v44  }
0x121: {  	v42 =	vand.u32 $0x7FFFFFFF, v42;
	v28 =	vsub.f32 v16, v40;
	v40 =	vld [tilespmem:s21+$0xFFFFFE90];
	v35 =	vadd.f32 v29, v35  }
0x122: {  	v16 =	vand.u32 $0x7FFFFFFF, v31;
	v29 =	vsub.f32 v15, v43;
	v41 =	vld [tilespmem:s21+$0xFFFFFD30];
	v31 =	vadd.f32 v42, v45  }
.Ltmp0:
0x123: {  	v30 =	vand.u32 $0x7FFFFFFF, v30;
	v57 =	vsub.f32 v9, v46;
	v42 =	vld [tilespmem:s21+$0xFFFFFDA0];
	v35 =	vadd.f32 v33, v35;
	(pc) =	sbr.rel @p0 .LBB2_3-.Ltmp0, $4  }
0x124: {  	v47 =	vsub.f32 v8, v48;
	v48 =	vand.u32 $0x7FFFFFFF, v49;
	v43 =	vld [tilespmem:s21+$0xFFFFFE00];
	v46 =	vadd.f32 v30, v31  }
0x125: {  	v33 =	vsub.f32 v15, v52;
	v30 =	vand.u32 $0x7FFFFFFF, v51;
	v45 =	vld [tilespmem:s21+$0xFFFFFE10];
	v15 =	vadd.f32 v34, v35  }
0x126: {  	v31 =	vand.u32 $0x7FFFFFFF, v54;
	v35 =	vsub.f32 v9, v53;
	v44 =	vld [tilespmem:s21+$0xFFFFFD80];
	v50 =	vadd.f32 v48, v46  }
0x127: {  	s22 =	sadd.s32 $0x200, s22;
	v49 =	vsub.f32 v8, v55;
	v34 =	vand.u32 $0x7FFFFFFF, v57;
	v48 =	vsub.f32 v4, v56;
	v46 =	vld [tilespmem:s21+$0xFFFFFD00]  }
0x128: {  	v9 =	vsub.f32 v9, v36;
	v32 =	vadd.f32 v32, v50  }
0x129: {  	v51 =	vld [tilespmem:s21+$0xFFFFFD10];
	v37 =	vsub.f32 v8, v37;
	v38 =	vsub.f32 v4, v38  }
0x12a: {  	v60 =	vld [tilespmem:s21+$0xFFFFFD90];
	v39 =	vsub.f32 v5, v39;
	v40 =	vsub.f32 v7, v40  }
0x12b: {  	v36 =	vand.u32 $0x7FFFFFFF, v47;
	v61 =	vld [tilespmem:s21+$0xFFFFFD20];
	v62 =	vsub.f32 v8, v41;
	v63 =	vsub.f32 v4, v42  }
0x12c: {  	v49 =	vand.u32 $0x7FFFFFFF, v49;
	v48 =	vand.u32 $0x7FFFFFFF, v48;
	v52 =	vsub.f32 v5, v43  }
0x12d: {  	v38 =	vand.u32 $0x7FFFFFFF, v38;
	v53 =	vsub.f32 v7, v45;
	v39 =	vand.u32 $0x7FFFFFFF, v39  }
0x12e: {  	v40 =	vand.u32 $0x7FFFFFFF, v40;
	v54 =	vsub.f32 v5, v46;
	v55 =	vsub.f32 v7, v51  }
0x12f: {  	v42 =	vand.u32 $0x7FFFFFFF, v52;
	v5 =	vsub.f32 v5, v44;
	v56 =	vsub.f32 v7, v60  }
0x130: {  	v4 =	vsub.f32 v4, v61;
	v57 =	vand.u32 $0x7FFFFFFF, v54;
	v58 =	vand.u32 $0x7FFFFFFF, v55  }
0x131: {  	v5 =	vand.u32 $0x7FFFFFFF, v5;
	v7 =	vand.u32 $0x7FFFFFFF, v56;
	v44 =	vadd.f32 v58, v57  }
0x132: {  	v59 =	vand.u32 $0x7FFFFFFF, v53;
	v4 =	vand.u32 $0x7FFFFFFF, v4;
	v5 =	vadd.f32 v7, v5  }
0x133: {  	v41 =	vand.u32 $0x7FFFFFFF, v63;
	v7 =	vadd.f32 v59, v42;
	v4 =	vadd.f32 v4, v44  }
0x134: {  	v8 =	vand.u32 $0x7FFFFFFF, v62;
	v39 =	vadd.f32 v40, v39;
	v5 =	vadd.f32 v41, v5  }
0x135: {  	v60 =	vand.u32 $0x7FFFFFFF, v37;
	v7 =	vadd.f32 v38, v7;
	v4 =	vadd.f32 v8, v4  }
0x136: {  	v9 =	vand.u32 $0x7FFFFFFF, v9;
	v61 =	vadd.f32 v48, v39;
	v5 =	vadd.f32 v60, v5  }
0x137: {  	v62 =	vand.u32 $0x7FFFFFFF, v35;
	v7 =	vadd.f32 v49, v7;
	v4 =	vadd.f32 v9, v4  }
0x138: {  	v33 =	vand.u32 $0x7FFFFFFF, v33;
	v8 =	vadd.f32 v36, v61;
	v5 =	vadd.f32 v62, v5  }
0x139: {  	v63 =	vand.u32 $0x7FFFFFFF, v29;
	v7 =	vadd.f32 v34, v7;
	v4 =	vadd.f32 v33, v4  }
0x13a: {  	v28 =	vand.u32 $0x7FFFFFFF, v28;
	v8 =	vadd.f32 v31, v8;
	v5 =	vadd.f32 v63, v5  }
0x13b: {  	v7 =	vadd.f32 v30, v7;
	v4 =	vadd.f32 v28, v4;
	v28 =	vand.u32 $0x7FFFFFFF, v26  }
0x13c: {  	v25 =	vand.u32 $0x7FFFFFFF, v25;
	v8 =	vadd.f32 v16, v8;
	v5 =	vadd.f32 v28, v5  }
0x13d: {  	v29 =	vand.u32 $0x7FFFFFFF, v22;
	v7 =	vadd.f32 v27, v7;
	v4 =	vadd.f32 v25, v4  }
0x13e: {  	v30 =	vand.u32 $0x7FFFFFFF, v18;
	v8 =	vadd.f32 v24, v8;
	v5 =	vadd.f32 v29, v5  }
0x13f: {  	v33 =	vadd.f32 v23, v32;
	v7 =	vadd.f32 v30, v7;
	v31 =	vperm.xlane v4, v0  }
0x140: {  	v15 =	vadd.f32 v20, v15;
	v8 =	vadd.f32 v21, v8;
	v34 =	vperm.xlane v5, v0  }
0x141: {  	v9 =	vadd.f32 v17, v33;
	v35 =	vperm.xlane v7, v0;
	v4 =	vadd.f32 v4, v31  }
0x142: {  	v13 =	vadd.f32 v13, v15;
	v36 =	vperm.xlane v8, v0;
	v5 =	vadd.f32 v5, v34  }
0x143: {  	v38 =	vperm.xlane v9, v0;
	v7 =	vadd.f32 v7, v35;
	v37 =	vperm.xlane v4, v1  }
0x144: {  	v39 =	vperm.xlane v13, v0;
	v8 =	vadd.f32 v8, v36;
	v18 =	vperm.xlane v5, v1  }
0x145: {  	v9 =	vadd.f32 v9, v38;
	v40 =	vperm.xlane v7, v1;
	v4 =	vadd.f32 v4, v37  }
0x146: {  	v13 =	vadd.f32 v13, v39;
	v41 =	vperm.xlane v8, v1;
	v5 =	vadd.f32 v5, v18  }
0x147: {  	v43 =	vperm.xlane v9, v1;
	v7 =	vadd.f32 v7, v40;
	v42 =	vperm.xlane v4, v2  }
0x148: {  	v44 =	vperm.xlane v13, v1;
	v8 =	vadd.f32 v8, v41;
	v18 =	vperm.xlane v5, v2  }
0x149: {  	v9 =	vadd.f32 v9, v43;
	v45 =	vperm.xlane v7, v2;
	v4 =	vadd.f32 v4, v42  }
0x14a: {  	v13 =	vadd.f32 v13, v44;
	v46 =	vperm.xlane v8, v2;
	v5 =	vadd.f32 v5, v18  }
0x14b: {  	v48 =	vperm.xlane v9, v2;
	v7 =	vadd.f32 v7, v45;
	v47 =	vperm.xlane v4, v3  }
0x14c: {  	v49 =	vperm.xlane v13, v2;
	v8 =	vadd.f32 v8, v46;
	v18 =	vperm.xlane v5, v3  }
0x14d: {  	v9 =	vadd.f32 v9, v48;
	v50 =	vperm.xlane v7, v3;
	v4 =	vadd.f32 v4, v47  }
0x14e: {  	v13 =	vadd.f32 v13, v49;
	v51 =	vperm.xlane v8, v3;
	v5 =	vadd.f32 v5, v18  }
0x14f: {  	v52 =	vperm.xlane v9, v3;
	v7 =	vadd.f32 v7, v50;
	v4 =	vnsel vm0, $0x0, v4  }
0x150: {  	v53 =	vperm.xlane v13, v3;
	v4 =	vsel vm1, v4, v5;
	v5 =	vadd.f32 v8, v51  }
0x151: {  	v55 =	vperm.xlane v19, v3;
	v54 =	vadd.f32 v9, v52;
	v4 =	vsel vm2, v4, v7  }
0x152: {  	v56 =	vperm.xlane v14, v3;
	v4 =	vsel vm3, v4, v5;
	v5 =	vadd.f32 v13, v53  }
0x153: {  	v58 =	vperm.xlane v12, v3;
	v57 =	vadd.f32 v19, v55;
	v4 =	vsel vm4, v4, v54  }
0x154: {  	v59 =	vperm.xlane v11, v3;
	v4 =	vsel vm5, v4, v5;
	v5 =	vadd.f32 v14, v56  }
0x155: {  	v60 =	vadd.f32 v12, v58;
	v61 =	vperm.xlane v10, v3;
	v4 =	vsel vm6, v4, v57  }
0x156: {  	v62 =	vperm.xlane v6, v3;
	v4 =	vsel vm7, v4, v5;
	v5 =	vadd.f32 v11, v59  }
0x157: {  	v63 =	vadd.f32 v10, v61;
	v4 =	vsel vm8, v4, v60  }
0x158: {  	v4 =	vsel vm9, v4, v5;
	v5 =	vadd.f32 v6, v62  }
0x159: {  	s18 =	sadd.s32 $0x1, s18;
	v4 =	vsel vm10, v4, v63  }
0x15a: {  	p0 =	sne.s32 s18, $0x10;
	v4 =	vsel vm11, v4, v5  }
.Ltmp1:
0x15b: {  	s19 =	sadd.s32 s5, s19;
	[tilespmem:s20+$0xD180] =	vst v4;
	(pc) =	sbr.rel @p0 .LBB2_2-.Ltmp1, $4  }
0x15c: {  	[hbm4b:s19+s2] =	stream.linear.scatter [tilespmem:s16], [sflag:$0x2], $0x1000, $0x38;
	[tilespmem:$0xE180] =	vst v63  }
0x15d: {  	_ =	swait.ge [sflag:s8], $0x1000  }
0x15e: {  	[sflag:s8] =	ssyncset.done $0x0  }
0x15f: {  	[sflag:s8] =	ssyncadd.s32 $0xFFFFF000  }
0x160: {  	s17 =	sadd.s32 $0x1, s17  }
0x161: {  	p0 =	sne.s32 s17, s7  }
.Ltmp2:
0x162: {  	_ = 	snop;
	(pc) =	sbr.rel @p0 .LBB2_1-.Ltmp2, $1  }
0x163: {  	_ =	sdelay $0x3  }
0x164: {  	_ =	sfence.sel $0x180000  }
0x165: {  	[bflag:$0x0] =	sbarrier.arrive $0xFFFF  }
0x166: {  	p0 =	sne.s32 s3, $0x0;
	_ =	strace $0x90000047  }
0x167: {  	s0 =	sadd.s32 @!p0 $0x100000, s0;
	[bflag:$0x2] =	sbarrier.arrive $0xFFFF  }
0x168: {  	[sflag:s0] =	ssyncadd.tile.s32 @!p0 $0x1;
	_ =	shalt  }
.Lfunc_end2:
_tile_overlayer_lowered:
.L_overlay_start_2:
0x169: {  	(tag) =	ssettag $0x2  }
0x16a: {  	s0 =	rddreg [dreg:$0x0];
	s2 =	stileid.u32  }
0x16b: {  	s1 =	rddreg [dreg:$0x1];
	p0 =	sne.s32 s2, $0x0  }
0x16c: {  	s3 =	rddreg [dreg:$0x2];
	[bflag:$0x3] =	sbarrier.arrive $0xFFFF;
	s2 =	simm.s32 @!p0 $0x1C02  }
0x16d: {  	[timem:s3], [sflag:s2] =	dma.local @!p0 [hbm:s0], s1  }
0x16e: {  	s0 =	simm.s32 @!p0 $0x2  }
0x16f: {  	_ =	swait.ge @!p0 [sflag:s0], s1  }
0x170: {  	s1 =	ssub.s32 @!p0 $0x0, s1;
	[sflag:s0] =	ssyncset.done @!p0 $0x0  }
0x171: {  	[sflag:s0] =	ssyncadd.s32 @!p0 s1  }
0x172: {  	[bflag:$0x3] =	sbarrier.arrive $0xFFFF  }
0x173: {  	_ =	shalt  }

</sc_bundles>
